<compile_context>
chip_gen: v7x
topology: tpu7x:2x2x1
jax: 0.10.2.dev20260603
libtpu: 0.0.44.dev20260713+nightly
codegen_flags: <defaults>
</compile_context>

<pallas_src>
import functools

import jax
import jax.numpy as jnp
from jax import lax
from jax.experimental import pallas as pl
from jax.experimental.pallas import tpu as pltpu
from jax.experimental.pallas import tpu_sc as plsc

VOCAB = 1000000
DIM = 64
MAXLEN = 200
BATCH = 4096
NIDX = BATCH * MAXLEN
LANES = 16
IDX_W = 100


@functools.cache
def _build():
    try:
        info = plsc.get_sparse_core_info()
        nc, ns = info.num_cores, info.num_subcores
    except Exception:
        nc, ns = 2, 16
    nw = nc * ns
    rows_per_w = NIDX // nw
    chunks = rows_per_w // MAXLEN

    group = 4
    groups = chunks // group

    mesh = plsc.VectorSubcoreMesh(core_axis_name="c", subcore_axis_name="s")

    @functools.partial(
        pl.kernel,
        out_type=jax.ShapeDtypeStruct((NIDX, DIM), jnp.float32),
        mesh=mesh,
        compiler_params=pltpu.CompilerParams(use_tc_tiling_on_sc=False),
        scratch_types=[
            pltpu.VMEM((2 * group, IDX_W), jnp.int32),
            pltpu.VMEM((MAXLEN, DIM), jnp.float32),
            pltpu.VMEM((MAXLEN, DIM), jnp.float32),
        ],
    )
    def k(tok_hbm, table_hbm, pos_hbm, out_hbm, idx_v, rows_v, pos_v):
        wid = lax.axis_index("s") * nc + lax.axis_index("c")
        base = wid * rows_per_w
        pltpu.sync_copy(pos_hbm, pos_v)

        def group_body(g, _):
            goff = base + g * group * MAXLEN
            irow = pl.multiple_of(goff // IDX_W, 8)
            pltpu.sync_copy(tok_hbm.at[pl.ds(irow, 2 * group)],
                            idx_v)
            for j in range(group):
                off = pl.multiple_of(goff + j * MAXLEN, 8)
                pltpu.sync_copy(table_hbm.at[idx_v.at[2 * j]],
                                rows_v.at[pl.ds(0, IDX_W)])
                pltpu.sync_copy(table_hbm.at[idx_v.at[2 * j + 1]],
                                rows_v.at[pl.ds(IDX_W, IDX_W)])

                def add_row(r, _):
                    for d in range(DIM // LANES):
                        sl = pl.ds(d * LANES, LANES)
                        rows_v[r, sl] = rows_v[r, sl] + pos_v[r, sl]
                    return 0

                lax.fori_loop(0, MAXLEN, add_row, 0)
                pltpu.sync_copy(rows_v, out_hbm.at[pl.ds(off, MAXLEN)])
            return 0

        lax.fori_loop(0, groups, group_body, 0)

    return k


def kernel(response_tokens, response_table, position_table):
    tok = response_tokens.reshape(NIDX // IDX_W, IDX_W).astype(jnp.int32)
    out = _build()(tok, response_table, position_table)
    return out.reshape(BATCH, MAXLEN, DIM)

# --- scband reference (transcript-rebuilt; emitter-appended) ---
"""Pipeline reference for scband-response-embedding-layer-41532333752898 (READ-ONLY COPY).

The authoritative reference and input builder live on the scoring server;
editing this copy changes nothing except your own understanding.
"""

import jax, jax.numpy as jnp
import numpy as np

VOCAB = 1000000
DIM = 64
MAXLEN = 200
BATCH = 4096


def setup_inputs(seed: int = 0) -> dict:
    key = jax.random.key(seed)
    k1, k2, k3 = jax.random.split(key, 3)
    response_tokens = jax.random.randint(k1, (BATCH, MAXLEN), 0, VOCAB, dtype=jnp.int64 if jax.config.jax_enable_x64 else jnp.int32)
    response_table = jax.random.normal(k2, (VOCAB, DIM), dtype=jnp.float32) * 0.02
    position_table = jax.random.normal(k3, (MAXLEN, DIM), dtype=jnp.float32) * 0.02
    return {
        "response_tokens": response_tokens,
        "response_table": response_table,
        "position_table": position_table,
    }


def reference(response_tokens, response_table, position_table):
    # response embedding lookup (gather)
    response_vectors = jnp.take(response_table, response_tokens, axis=0)  # [B, L, D]
    # position embedding lookup, broadcast over batch
    position_indices = jnp.arange(MAXLEN)
    position_vectors = jnp.take(position_table, position_indices, axis=0)[None, :, :]  # [1, L, D]
    combined_vectors = position_vectors + response_vectors
    return combined_vectors

if __name__ == "__main__":
    import jax
    _d = setup_inputs()
    print(jax.jit(kernel)(*tuple(_d.values())))

</pallas_src>

<mosaic_0001>
#map = affine_map<(d0, d1) -> (0, 0)>
module attributes {stable_mosaic.version = 14 : i64} {
  func.func @k(%arg0: i32, %arg1: i32, %arg2: memref<8192x100xi32, #tpu.memory_space<hbm>>, %arg3: memref<1000000x64xf32, #tpu.memory_space<hbm>>, %arg4: memref<200x64xf32, #tpu.memory_space<hbm>>, %arg5: memref<819200x64xf32, #tpu.memory_space<hbm>>, %arg6: memref<8x100xi32, #tpu.memory_space<vmem>>, %arg7: memref<200x64xf32, #tpu.memory_space<vmem>>, %arg8: memref<200x64xf32, #tpu.memory_space<vmem>>) attributes {dimension_semantics = [#tpu.dimension_semantics<core_parallel>, #tpu.dimension_semantics<subcore_parallel>], iteration_bounds = array<i64: 2, 16>, scalar_prefetch = 0 : i64, scratch_operands = 3 : i64, tpu.core_type = #tpu.core_type<sc_vector_subcore>, window_params = [{transform_indices = #map}, {transform_indices = #map}, {transform_indices = #map}, {transform_indices = #map}]} {
    %mul3A = arith.constant 2 : i32
    %mul3A_0 = arith.muli %arg1, %mul3A : i32
    %add3A = arith.addi %mul3A_0, %arg0 : i32
    %mul3A_1 = arith.constant 25600 : i32
    %mul3A_2 = arith.muli %add3A, %mul3A_1 : i32
    "tpu.region"() ({
      %run_scoped3A = tpu.sem_alloc : memref<!tpu.dma_semaphore, #tpu.memory_space<semaphore_mem>>
      tpu.enqueue_dma source(%arg4 : memref<200x64xf32, #tpu.memory_space<hbm>>) target(%arg8 : memref<200x64xf32, #tpu.memory_space<vmem>>) target_semaphore(%run_scoped3A : memref<!tpu.dma_semaphore, #tpu.memory_space<semaphore_mem>>)
      tpu.wait_dma2 semaphore(%run_scoped3A : memref<!tpu.dma_semaphore, #tpu.memory_space<semaphore_mem>>) src(%arg4 : memref<200x64xf32, #tpu.memory_space<hbm>>) dst(%arg8 : memref<200x64xf32, #tpu.memory_space<vmem>>)
      tpu.yield
    }) : () -> ()
    %scan3A = arith.constant 0 : i32
    %scan3A_3 = arith.constant 0 : i32
    %scan3A_4 = arith.constant 32 : i32
    %scan3A_5 = arith.addi %scan3A_3, %scan3A_4 : i32
    %scan3A_6 = arith.constant 1 : i32
    %scan3A_7 = scf.for %scan3A_9 = %scan3A_3 to %scan3A_5 step %scan3A_6 iter_args(%scan3A_10 = %scan3A) -> (i32)  : i32 {
      %mul3A_11 = arith.constant 4 : i32
      %mul3A_12 = arith.muli %scan3A_9, %mul3A_11 : i32
      %mul3A_13 = arith.constant 200 : i32
      %mul3A_14 = arith.muli %mul3A_12, %mul3A_13 : i32
      %add3A_15 = arith.addi %mul3A_2, %mul3A_14 : i32
      %jit3A = arith.constant 100 : i32
      %div3A = arith.divsi %add3A_15, %jit3A : i32
      %sign3A = arith.constant 0 : i32
      %sign3A_16 = arith.cmpi sgt, %add3A_15, %sign3A : i32
      %sign3A_17 = arith.extui %sign3A_16 : i1 to i32
      %sign3A_18 = arith.constant 0 : i32
      %sign3A_19 = arith.cmpi slt, %add3A_15, %sign3A_18 : i32
      %sign3A_20 = arith.extui %sign3A_19 : i1 to i32
      %sign3A_21 = arith.subi %sign3A_17, %sign3A_20 : i32
      %sign3A_22 = arith.constant 0 : i32
      %sign3A_23 = arith.cmpi sgt, %jit3A, %sign3A_22 : i32
      %sign3A_24 = arith.extui %sign3A_23 : i1 to i32
      %sign3A_25 = arith.constant 0 : i32
      %sign3A_26 = arith.cmpi slt, %jit3A, %sign3A_25 : i32
      %sign3A_27 = arith.extui %sign3A_26 : i1 to i32
      %sign3A_28 = arith.subi %sign3A_24, %sign3A_27 : i32
      %ne3A = arith.cmpi ne, %sign3A_21, %sign3A_28 : i32
      %rem3A = arith.remsi %add3A_15, %jit3A : i32
      %ne3A_29 = arith.constant 0 : i32
      %ne3A_30 = arith.cmpi ne, %rem3A, %ne3A_29 : i32
      %and3A = arith.andi %ne3A, %ne3A_30 : i1
      %sub3A = arith.constant 1 : i32
      %sub3A_31 = arith.subi %div3A, %sub3A : i32
      %select_n3A = arith.select %and3A, %sub3A_31, %div3A : i32
      %multiple_of3A = tpu.assume_multiple %select_n3A, 8 : i32
      "tpu.region"() ({
        %run_scoped3A_80 = tpu.sem_alloc : memref<!tpu.dma_semaphore, #tpu.memory_space<semaphore_mem>>
        %dma_start3A = arith.constant 0 : i32
        %dma_start3A_81 = tpu.memref_slice %arg2[%multiple_of3A, %dma_start3A] : memref<8192x100xi32, #tpu.memory_space<hbm>> -> memref<8x100xi32, #tpu.memory_space<hbm>>
        %dma_start3A_82 = arith.constant 0 : i32
        %dma_start3A_83 = tpu.memref_slice %arg2[%multiple_of3A, %dma_start3A_82] : memref<8192x100xi32, #tpu.memory_space<hbm>> -> memref<8x100xi32, #tpu.memory_space<hbm>>
        tpu.enqueue_dma source(%dma_start3A_83 : memref<8x100xi32, #tpu.memory_space<hbm>>) target(%arg6 : memref<8x100xi32, #tpu.memory_space<vmem>>) target_semaphore(%run_scoped3A_80 : memref<!tpu.dma_semaphore, #tpu.memory_space<semaphore_mem>>)
        %dma_wait3A = arith.constant 0 : i32
        %dma_wait3A_84 = tpu.memref_slice %arg2[%multiple_of3A, %dma_wait3A] : memref<8192x100xi32, #tpu.memory_space<hbm>> -> memref<8x100xi32, #tpu.memory_space<hbm>>
        %dma_wait3A_85 = arith.constant 0 : i32
        %dma_wait3A_86 = tpu.memref_slice %arg2[%multiple_of3A, %dma_wait3A_85] : memref<8192x100xi32, #tpu.memory_space<hbm>> -> memref<8x100xi32, #tpu.memory_space<hbm>>
        tpu.wait_dma2 semaphore(%run_scoped3A_80 : memref<!tpu.dma_semaphore, #tpu.memory_space<semaphore_mem>>) src(%dma_wait3A_86 : memref<8x100xi32, #tpu.memory_space<hbm>>) dst(%arg6 : memref<8x100xi32, #tpu.memory_space<vmem>>)
        tpu.yield
      }) : () -> ()
      %add3A_32 = arith.constant 0 : i32
      %add3A_33 = arith.addi %add3A_15, %add3A_32 : i32
      %multiple_of3A_34 = tpu.assume_multiple %add3A_33, 8 : i32
      %run_scoped3A = arith.constant 0 : i32
      "tpu.region"() ({
        %run_scoped3A_80 = tpu.sem_alloc : memref<!tpu.dma_semaphore, #tpu.memory_space<semaphore_mem>>
        %dma_start3A = arith.constant 0 : i32
        %dma_start3A_81 = arith.constant 0 : i32
        %dma_start3A_82 = tpu.memref_slice %arg7[%dma_start3A, %dma_start3A_81] : memref<200x64xf32, #tpu.memory_space<vmem>> -> memref<100x64xf32, #tpu.memory_space<vmem>>
        %dma_start3A_83 = arith.constant 0 : i32
        %dma_start3A_84 = tpu.memref_slice %arg6[%run_scoped3A, %dma_start3A_83] : memref<8x100xi32, #tpu.memory_space<vmem>> -> memref<1x100xi32, #tpu.memory_space<vmem>>
        %dma_start3A_85 = tpu.memref_squeeze %dma_start3A_84 : memref<1x100xi32, #tpu.memory_space<vmem>> -> memref<100xi32, #tpu.memory_space<vmem>>
        %dma_start3A_86 = arith.constant 0 : i32
        %dma_start3A_87 = arith.constant 0 : i32
        %dma_start3A_88 = tpu.memref_slice %arg3[%dma_start3A_86, %dma_start3A_87] : memref<1000000x64xf32, #tpu.memory_space<hbm>> -> memref<1000000x64xf32, #tpu.memory_space<hbm>>
        tpu.enqueue_indirect_dma source(%dma_start3A_88 : memref<1000000x64xf32, #tpu.memory_space<hbm>>) target(%dma_start3A_82 : memref<100x64xf32, #tpu.memory_space<vmem>>) offsets(%dma_start3A_85 : memref<100xi32, #tpu.memory_space<vmem>>) semaphore(%run_scoped3A_80 : memref<!tpu.dma_semaphore, #tpu.memory_space<semaphore_mem>>)
        %dma_wait3A = arith.constant 0 : i32
        %dma_wait3A_89 = arith.constant 0 : i32
        %dma_wait3A_90 = tpu.memref_slice %arg7[%dma_wait3A, %dma_wait3A_89] : memref<200x64xf32, #tpu.memory_space<vmem>> -> memref<100x64xf32, #tpu.memory_space<vmem>>
        %dma_wait3A_91 = arith.constant 0 : i32
        %dma_wait3A_92 = tpu.memref_slice %arg6[%run_scoped3A, %dma_wait3A_91] : memref<8x100xi32, #tpu.memory_space<vmem>> -> memref<1x100xi32, #tpu.memory_space<vmem>>
        %dma_wait3A_93 = tpu.memref_squeeze %dma_wait3A_92 : memref<1x100xi32, #tpu.memory_space<vmem>> -> memref<100xi32, #tpu.memory_space<vmem>>
        %dma_wait3A_94 = arith.constant 0 : i32
        %dma_wait3A_95 = arith.constant 0 : i32
        %dma_wait3A_96 = tpu.memref_slice %arg3[%dma_wait3A_94, %dma_wait3A_95] : memref<1000000x64xf32, #tpu.memory_space<hbm>> -> memref<1000000x64xf32, #tpu.memory_space<hbm>>
        tpu.wait_indirect_dma semaphore(%run_scoped3A_80 : memref<!tpu.dma_semaphore, #tpu.memory_space<semaphore_mem>>) src(%dma_wait3A_96 : memref<1000000x64xf32, #tpu.memory_space<hbm>>) dst(%dma_wait3A_90 : memref<100x64xf32, #tpu.memory_space<vmem>>)
        tpu.yield
      }) : () -> ()
      %run_scoped3A_35 = arith.constant 1 : i32
      "tpu.region"() ({
        %run_scoped3A_80 = tpu.sem_alloc : memref<!tpu.dma_semaphore, #tpu.memory_space<semaphore_mem>>
        %dma_start3A = arith.constant 100 : i32
        %dma_start3A_81 = arith.constant 0 : i32
        %dma_start3A_82 = tpu.memref_slice %arg7[%dma_start3A, %dma_start3A_81] : memref<200x64xf32, #tpu.memory_space<vmem>> -> memref<100x64xf32, #tpu.memory_space<vmem>>
        %dma_start3A_83 = arith.constant 0 : i32
        %dma_start3A_84 = tpu.memref_slice %arg6[%run_scoped3A_35, %dma_start3A_83] : memref<8x100xi32, #tpu.memory_space<vmem>> -> memref<1x100xi32, #tpu.memory_space<vmem>>
        %dma_start3A_85 = tpu.memref_squeeze %dma_start3A_84 : memref<1x100xi32, #tpu.memory_space<vmem>> -> memref<100xi32, #tpu.memory_space<vmem>>
        %dma_start3A_86 = arith.constant 0 : i32
        %dma_start3A_87 = arith.constant 0 : i32
        %dma_start3A_88 = tpu.memref_slice %arg3[%dma_start3A_86, %dma_start3A_87] : memref<1000000x64xf32, #tpu.memory_space<hbm>> -> memref<1000000x64xf32, #tpu.memory_space<hbm>>
        tpu.enqueue_indirect_dma source(%dma_start3A_88 : memref<1000000x64xf32, #tpu.memory_space<hbm>>) target(%dma_start3A_82 : memref<100x64xf32, #tpu.memory_space<vmem>>) offsets(%dma_start3A_85 : memref<100xi32, #tpu.memory_space<vmem>>) semaphore(%run_scoped3A_80 : memref<!tpu.dma_semaphore, #tpu.memory_space<semaphore_mem>>)
        %dma_wait3A = arith.constant 100 : i32
        %dma_wait3A_89 = arith.constant 0 : i32
        %dma_wait3A_90 = tpu.memref_slice %arg7[%dma_wait3A, %dma_wait3A_89] : memref<200x64xf32, #tpu.memory_space<vmem>> -> memref<100x64xf32, #tpu.memory_space<vmem>>
        %dma_wait3A_91 = arith.constant 0 : i32
        %dma_wait3A_92 = tpu.memref_slice %arg6[%run_scoped3A_35, %dma_wait3A_91] : memref<8x100xi32, #tpu.memory_space<vmem>> -> memref<1x100xi32, #tpu.memory_space<vmem>>
        %dma_wait3A_93 = tpu.memref_squeeze %dma_wait3A_92 : memref<1x100xi32, #tpu.memory_space<vmem>> -> memref<100xi32, #tpu.memory_space<vmem>>
        %dma_wait3A_94 = arith.constant 0 : i32
        %dma_wait3A_95 = arith.constant 0 : i32
        %dma_wait3A_96 = tpu.memref_slice %arg3[%dma_wait3A_94, %dma_wait3A_95] : memref<1000000x64xf32, #tpu.memory_space<hbm>> -> memref<1000000x64xf32, #tpu.memory_space<hbm>>
        tpu.wait_indirect_dma semaphore(%run_scoped3A_80 : memref<!tpu.dma_semaphore, #tpu.memory_space<semaphore_mem>>) src(%dma_wait3A_96 : memref<1000000x64xf32, #tpu.memory_space<hbm>>) dst(%dma_wait3A_90 : memref<100x64xf32, #tpu.memory_space<vmem>>)
        tpu.yield
      }) : () -> ()
      %scan3A_36 = arith.constant 0 : i32
      %scan3A_37 = arith.constant 0 : i32
      %scan3A_38 = arith.constant 200 : i32
      %scan3A_39 = arith.addi %scan3A_37, %scan3A_38 : i32
      %scan3A_40 = arith.constant 1 : i32
      %scan3A_41 = scf.for %scan3A_80 = %scan3A_37 to %scan3A_39 step %scan3A_40 iter_args(%scan3A_81 = %scan3A_36) -> (i32)  : i32 {
        %get3A = arith.index_cast %scan3A_80 : i32 to index
        %get3A_82 = arith.constant 0 : index
        %get3A_83 = tpu.vector_load %arg7[%get3A, %get3A_82] {strides = array<i32>} : memref<200x64xf32, #tpu.memory_space<vmem>>, vector<1x16xf32>,
        %get3A_84 = vector.shape_cast %get3A_83 : vector<1x16xf32> to vector<16xf32>
        %get3A_85 = arith.index_cast %scan3A_80 : i32 to index
        %get3A_86 = arith.constant 0 : index
        %get3A_87 = tpu.vector_load %arg8[%get3A_85, %get3A_86] {strides = array<i32>} : memref<200x64xf32, #tpu.memory_space<vmem>>, vector<1x16xf32>,
        %get3A_88 = vector.shape_cast %get3A_87 : vector<1x16xf32> to vector<16xf32>
        %add3A_89 = arith.addf %get3A_84, %get3A_88 : vector<16xf32>
        %swap3A = arith.index_cast %scan3A_80 : i32 to index
        %swap3A_90 = arith.constant 0 : index
        %swap3A_91 = tpu.vector_load %arg7[%swap3A, %swap3A_90] {strides = array<i32>} : memref<200x64xf32, #tpu.memory_space<vmem>>, vector<1x16xf32>,
        %swap3A_92 = vector.shape_cast %swap3A_91 : vector<1x16xf32> to vector<16xf32>
        %swap3A_93 = vector.shape_cast %add3A_89 : vector<16xf32> to vector<1x16xf32>
        tpu.vector_store %arg7[%swap3A, %swap3A_90], %swap3A_93 {strides = array<i32>} : memref<200x64xf32, #tpu.memory_space<vmem>>, vector<1x16xf32>,
        %get3A_94 = arith.index_cast %scan3A_80 : i32 to index
        %get3A_95 = arith.constant 16 : index
        %get3A_96 = tpu.vector_load %arg7[%get3A_94, %get3A_95] {strides = array<i32>} : memref<200x64xf32, #tpu.memory_space<vmem>>, vector<1x16xf32>,
        %get3A_97 = vector.shape_cast %get3A_96 : vector<1x16xf32> to vector<16xf32>
        %get3A_98 = arith.index_cast %scan3A_80 : i32 to index
        %get3A_99 = arith.constant 16 : index
        %get3A_100 = tpu.vector_load %arg8[%get3A_98, %get3A_99] {strides = array<i32>} : memref<200x64xf32, #tpu.memory_space<vmem>>, vector<1x16xf32>,
        %get3A_101 = vector.shape_cast %get3A_100 : vector<1x16xf32> to vector<16xf32>
        %add3A_102 = arith.addf %get3A_97, %get3A_101 : vector<16xf32>
        %swap3A_103 = arith.index_cast %scan3A_80 : i32 to index
        %swap3A_104 = arith.constant 16 : index
        %swap3A_105 = tpu.vector_load %arg7[%swap3A_103, %swap3A_104] {strides = array<i32>} : memref<200x64xf32, #tpu.memory_space<vmem>>, vector<1x16xf32>,
        %swap3A_106 = vector.shape_cast %swap3A_105 : vector<1x16xf32> to vector<16xf32>
        %swap3A_107 = vector.shape_cast %add3A_102 : vector<16xf32> to vector<1x16xf32>
        tpu.vector_store %arg7[%swap3A_103, %swap3A_104], %swap3A_107 {strides = array<i32>} : memref<200x64xf32, #tpu.memory_space<vmem>>, vector<1x16xf32>,
        %get3A_108 = arith.index_cast %scan3A_80 : i32 to index
        %get3A_109 = arith.constant 32 : index
        %get3A_110 = tpu.vector_load %arg7[%get3A_108, %get3A_109] {strides = array<i32>} : memref<200x64xf32, #tpu.memory_space<vmem>>, vector<1x16xf32>,
        %get3A_111 = vector.shape_cast %get3A_110 : vector<1x16xf32> to vector<16xf32>
        %get3A_112 = arith.index_cast %scan3A_80 : i32 to index
        %get3A_113 = arith.constant 32 : index
        %get3A_114 = tpu.vector_load %arg8[%get3A_112, %get3A_113] {strides = array<i32>} : memref<200x64xf32, #tpu.memory_space<vmem>>, vector<1x16xf32>,
        %get3A_115 = vector.shape_cast %get3A_114 : vector<1x16xf32> to vector<16xf32>
        %add3A_116 = arith.addf %get3A_111, %get3A_115 : vector<16xf32>
        %swap3A_117 = arith.index_cast %scan3A_80 : i32 to index
        %swap3A_118 = arith.constant 32 : index
        %swap3A_119 = tpu.vector_load %arg7[%swap3A_117, %swap3A_118] {strides = array<i32>} : memref<200x64xf32, #tpu.memory_space<vmem>>, vector<1x16xf32>,
        %swap3A_120 = vector.shape_cast %swap3A_119 : vector<1x16xf32> to vector<16xf32>
        %swap3A_121 = vector.shape_cast %add3A_116 : vector<16xf32> to vector<1x16xf32>
        tpu.vector_store %arg7[%swap3A_117, %swap3A_118], %swap3A_121 {strides = array<i32>} : memref<200x64xf32, #tpu.memory_space<vmem>>, vector<1x16xf32>,
        %get3A_122 = arith.index_cast %scan3A_80 : i32 to index
        %get3A_123 = arith.constant 48 : index
        %get3A_124 = tpu.vector_load %arg7[%get3A_122, %get3A_123] {strides = array<i32>} : memref<200x64xf32, #tpu.memory_space<vmem>>, vector<1x16xf32>,
        %get3A_125 = vector.shape_cast %get3A_124 : vector<1x16xf32> to vector<16xf32>
        %get3A_126 = arith.index_cast %scan3A_80 : i32 to index
        %get3A_127 = arith.constant 48 : index
        %get3A_128 = tpu.vector_load %arg8[%get3A_126, %get3A_127] {strides = array<i32>} : memref<200x64xf32, #tpu.memory_space<vmem>>, vector<1x16xf32>,
        %get3A_129 = vector.shape_cast %get3A_128 : vector<1x16xf32> to vector<16xf32>
        %add3A_130 = arith.addf %get3A_125, %get3A_129 : vector<16xf32>
        %swap3A_131 = arith.index_cast %scan3A_80 : i32 to index
        %swap3A_132 = arith.constant 48 : index
        %swap3A_133 = tpu.vector_load %arg7[%swap3A_131, %swap3A_132] {strides = array<i32>} : memref<200x64xf32, #tpu.memory_space<vmem>>, vector<1x16xf32>,
        %swap3A_134 = vector.shape_cast %swap3A_133 : vector<1x16xf32> to vector<16xf32>
        %swap3A_135 = vector.shape_cast %add3A_130 : vector<16xf32> to vector<1x16xf32>
        tpu.vector_store %arg7[%swap3A_131, %swap3A_132], %swap3A_135 {strides = array<i32>} : memref<200x64xf32, #tpu.memory_space<vmem>>, vector<1x16xf32>,
        %scan3A_136 = arith.constant 0 : i32
        scf.yield %scan3A_136 : i32
      }
      %scan3A_42 = arith.constant 200 : i32
      "tpu.region"() ({
        %run_scoped3A_80 = tpu.sem_alloc : memref<!tpu.dma_semaphore, #tpu.memory_space<semaphore_mem>>
        %dma_start3A = arith.constant 0 : i32
        %dma_start3A_81 = tpu.memref_slice %arg5[%multiple_of3A_34, %dma_start3A] : memref<819200x64xf32, #tpu.memory_space<hbm>> -> memref<200x64xf32, #tpu.memory_space<hbm>>
        %dma_start3A_82 = arith.constant 0 : i32
        %dma_start3A_83 = tpu.memref_slice %arg5[%multiple_of3A_34, %dma_start3A_82] : memref<819200x64xf32, #tpu.memory_space<hbm>> -> memref<200x64xf32, #tpu.memory_space<hbm>>
        tpu.enqueue_dma source(%arg7 : memref<200x64xf32, #tpu.memory_space<vmem>>) target(%dma_start3A_83 : memref<200x64xf32, #tpu.memory_space<hbm>>) target_semaphore(%run_scoped3A_80 : memref<!tpu.dma_semaphore, #tpu.memory_space<semaphore_mem>>)
        %dma_wait3A = arith.constant 0 : i32
        %dma_wait3A_84 = tpu.memref_slice %arg5[%multiple_of3A_34, %dma_wait3A] : memref<819200x64xf32, #tpu.memory_space<hbm>> -> memref<200x64xf32, #tpu.memory_space<hbm>>
        %dma_wait3A_85 = arith.constant 0 : i32
        %dma_wait3A_86 = tpu.memref_slice %arg5[%multiple_of3A_34, %dma_wait3A_85] : memref<819200x64xf32, #tpu.memory_space<hbm>> -> memref<200x64xf32, #tpu.memory_space<hbm>>
        tpu.wait_dma2 semaphore(%run_scoped3A_80 : memref<!tpu.dma_semaphore, #tpu.memory_space<semaphore_mem>>) src(%arg7 : memref<200x64xf32, #tpu.memory_space<vmem>>) dst(%dma_wait3A_86 : memref<200x64xf32, #tpu.memory_space<hbm>>)
        tpu.yield
      }) : () -> ()
      %add3A_43 = arith.constant 200 : i32
      %add3A_44 = arith.addi %add3A_15, %add3A_43 : i32
      %multiple_of3A_45 = tpu.assume_multiple %add3A_44, 8 : i32
      %run_scoped3A_46 = arith.constant 2 : i32
      "tpu.region"() ({
        %run_scoped3A_80 = tpu.sem_alloc : memref<!tpu.dma_semaphore, #tpu.memory_space<semaphore_mem>>
        %dma_start3A = arith.constant 0 : i32
        %dma_start3A_81 = arith.constant 0 : i32
        %dma_start3A_82 = tpu.memref_slice %arg7[%dma_start3A, %dma_start3A_81] : memref<200x64xf32, #tpu.memory_space<vmem>> -> memref<100x64xf32, #tpu.memory_space<vmem>>
        %dma_start3A_83 = arith.constant 0 : i32
        %dma_start3A_84 = tpu.memref_slice %arg6[%run_scoped3A_46, %dma_start3A_83] : memref<8x100xi32, #tpu.memory_space<vmem>> -> memref<1x100xi32, #tpu.memory_space<vmem>>
        %dma_start3A_85 = tpu.memref_squeeze %dma_start3A_84 : memref<1x100xi32, #tpu.memory_space<vmem>> -> memref<100xi32, #tpu.memory_space<vmem>>
        %dma_start3A_86 = arith.constant 0 : i32
        %dma_start3A_87 = arith.constant 0 : i32
        %dma_start3A_88 = tpu.memref_slice %arg3[%dma_start3A_86, %dma_start3A_87] : memref<1000000x64xf32, #tpu.memory_space<hbm>> -> memref<1000000x64xf32, #tpu.memory_space<hbm>>
        tpu.enqueue_indirect_dma source(%dma_start3A_88 : memref<1000000x64xf32, #tpu.memory_space<hbm>>) target(%dma_start3A_82 : memref<100x64xf32, #tpu.memory_space<vmem>>) offsets(%dma_start3A_85 : memref<100xi32, #tpu.memory_space<vmem>>) semaphore(%run_scoped3A_80 : memref<!tpu.dma_semaphore, #tpu.memory_space<semaphore_mem>>)
        %dma_wait3A = arith.constant 0 : i32
        %dma_wait3A_89 = arith.constant 0 : i32
        %dma_wait3A_90 = tpu.memref_slice %arg7[%dma_wait3A, %dma_wait3A_89] : memref<200x64xf32, #tpu.memory_space<vmem>> -> memref<100x64xf32, #tpu.memory_space<vmem>>
        %dma_wait3A_91 = arith.constant 0 : i32
        %dma_wait3A_92 = tpu.memref_slice %arg6[%run_scoped3A_46, %dma_wait3A_91] : memref<8x100xi32, #tpu.memory_space<vmem>> -> memref<1x100xi32, #tpu.memory_space<vmem>>
        %dma_wait3A_93 = tpu.memref_squeeze %dma_wait3A_92 : memref<1x100xi32, #tpu.memory_space<vmem>> -> memref<100xi32, #tpu.memory_space<vmem>>
        %dma_wait3A_94 = arith.constant 0 : i32
        %dma_wait3A_95 = arith.constant 0 : i32
        %dma_wait3A_96 = tpu.memref_slice %arg3[%dma_wait3A_94, %dma_wait3A_95] : memref<1000000x64xf32, #tpu.memory_space<hbm>> -> memref<1000000x64xf32, #tpu.memory_space<hbm>>
        tpu.wait_indirect_dma semaphore(%run_scoped3A_80 : memref<!tpu.dma_semaphore, #tpu.memory_space<semaphore_mem>>) src(%dma_wait3A_96 : memref<1000000x64xf32, #tpu.memory_space<hbm>>) dst(%dma_wait3A_90 : memref<100x64xf32, #tpu.memory_space<vmem>>)
        tpu.yield
      }) : () -> ()
      %run_scoped3A_47 = arith.constant 3 : i32
      "tpu.region"() ({
        %run_scoped3A_80 = tpu.sem_alloc : memref<!tpu.dma_semaphore, #tpu.memory_space<semaphore_mem>>
        %dma_start3A = arith.constant 100 : i32
        %dma_start3A_81 = arith.constant 0 : i32
        %dma_start3A_82 = tpu.memref_slice %arg7[%dma_start3A, %dma_start3A_81] : memref<200x64xf32, #tpu.memory_space<vmem>> -> memref<100x64xf32, #tpu.memory_space<vmem>>
        %dma_start3A_83 = arith.constant 0 : i32
        %dma_start3A_84 = tpu.memref_slice %arg6[%run_scoped3A_47, %dma_start3A_83] : memref<8x100xi32, #tpu.memory_space<vmem>> -> memref<1x100xi32, #tpu.memory_space<vmem>>
        %dma_start3A_85 = tpu.memref_squeeze %dma_start3A_84 : memref<1x100xi32, #tpu.memory_space<vmem>> -> memref<100xi32, #tpu.memory_space<vmem>>
        %dma_start3A_86 = arith.constant 0 : i32
        %dma_start3A_87 = arith.constant 0 : i32
        %dma_start3A_88 = tpu.memref_slice %arg3[%dma_start3A_86, %dma_start3A_87] : memref<1000000x64xf32, #tpu.memory_space<hbm>> -> memref<1000000x64xf32, #tpu.memory_space<hbm>>
        tpu.enqueue_indirect_dma source(%dma_start3A_88 : memref<1000000x64xf32, #tpu.memory_space<hbm>>) target(%dma_start3A_82 : memref<100x64xf32, #tpu.memory_space<vmem>>) offsets(%dma_start3A_85 : memref<100xi32, #tpu.memory_space<vmem>>) semaphore(%run_scoped3A_80 : memref<!tpu.dma_semaphore, #tpu.memory_space<semaphore_mem>>)
        %dma_wait3A = arith.constant 100 : i32
        %dma_wait3A_89 = arith.constant 0 : i32
        %dma_wait3A_90 = tpu.memref_slice %arg7[%dma_wait3A, %dma_wait3A_89] : memref<200x64xf32, #tpu.memory_space<vmem>> -> memref<100x64xf32, #tpu.memory_space<vmem>>
        %dma_wait3A_91 = arith.constant 0 : i32
        %dma_wait3A_92 = tpu.memref_slice %arg6[%run_scoped3A_47, %dma_wait3A_91] : memref<8x100xi32, #tpu.memory_space<vmem>> -> memref<1x100xi32, #tpu.memory_space<vmem>>
        %dma_wait3A_93 = tpu.memref_squeeze %dma_wait3A_92 : memref<1x100xi32, #tpu.memory_space<vmem>> -> memref<100xi32, #tpu.memory_space<vmem>>
        %dma_wait3A_94 = arith.constant 0 : i32
        %dma_wait3A_95 = arith.constant 0 : i32
        %dma_wait3A_96 = tpu.memref_slice %arg3[%dma_wait3A_94, %dma_wait3A_95] : memref<1000000x64xf32, #tpu.memory_space<hbm>> -> memref<1000000x64xf32, #tpu.memory_space<hbm>>
        tpu.wait_indirect_dma semaphore(%run_scoped3A_80 : memref<!tpu.dma_semaphore, #tpu.memory_space<semaphore_mem>>) src(%dma_wait3A_96 : memref<1000000x64xf32, #tpu.memory_space<hbm>>) dst(%dma_wait3A_90 : memref<100x64xf32, #tpu.memory_space<vmem>>)
        tpu.yield
      }) : () -> ()
      %scan3A_48 = arith.constant 0 : i32
      %scan3A_49 = arith.constant 0 : i32
      %scan3A_50 = arith.constant 200 : i32
      %scan3A_51 = arith.addi %scan3A_49, %scan3A_50 : i32
      %scan3A_52 = arith.constant 1 : i32
      %scan3A_53 = scf.for %scan3A_80 = %scan3A_49 to %scan3A_51 step %scan3A_52 iter_args(%scan3A_81 = %scan3A_48) -> (i32)  : i32 {
        %get3A = arith.index_cast %scan3A_80 : i32 to index
        %get3A_82 = arith.constant 0 : index
        %get3A_83 = tpu.vector_load %arg7[%get3A, %get3A_82] {strides = array<i32>} : memref<200x64xf32, #tpu.memory_space<vmem>>, vector<1x16xf32>,
        %get3A_84 = vector.shape_cast %get3A_83 : vector<1x16xf32> to vector<16xf32>
        %get3A_85 = arith.index_cast %scan3A_80 : i32 to index
        %get3A_86 = arith.constant 0 : index
        %get3A_87 = tpu.vector_load %arg8[%get3A_85, %get3A_86] {strides = array<i32>} : memref<200x64xf32, #tpu.memory_space<vmem>>, vector<1x16xf32>,
        %get3A_88 = vector.shape_cast %get3A_87 : vector<1x16xf32> to vector<16xf32>
        %add3A_89 = arith.addf %get3A_84, %get3A_88 : vector<16xf32>
        %swap3A = arith.index_cast %scan3A_80 : i32 to index
        %swap3A_90 = arith.constant 0 : index
        %swap3A_91 = tpu.vector_load %arg7[%swap3A, %swap3A_90] {strides = array<i32>} : memref<200x64xf32, #tpu.memory_space<vmem>>, vector<1x16xf32>,
        %swap3A_92 = vector.shape_cast %swap3A_91 : vector<1x16xf32> to vector<16xf32>
        %swap3A_93 = vector.shape_cast %add3A_89 : vector<16xf32> to vector<1x16xf32>
        tpu.vector_store %arg7[%swap3A, %swap3A_90], %swap3A_93 {strides = array<i32>} : memref<200x64xf32, #tpu.memory_space<vmem>>, vector<1x16xf32>,
        %get3A_94 = arith.index_cast %scan3A_80 : i32 to index
        %get3A_95 = arith.constant 16 : index
        %get3A_96 = tpu.vector_load %arg7[%get3A_94, %get3A_95] {strides = array<i32>} : memref<200x64xf32, #tpu.memory_space<vmem>>, vector<1x16xf32>,
        %get3A_97 = vector.shape_cast %get3A_96 : vector<1x16xf32> to vector<16xf32>
        %get3A_98 = arith.index_cast %scan3A_80 : i32 to index
        %get3A_99 = arith.constant 16 : index
        %get3A_100 = tpu.vector_load %arg8[%get3A_98, %get3A_99] {strides = array<i32>} : memref<200x64xf32, #tpu.memory_space<vmem>>, vector<1x16xf32>,
        %get3A_101 = vector.shape_cast %get3A_100 : vector<1x16xf32> to vector<16xf32>
        %add3A_102 = arith.addf %get3A_97, %get3A_101 : vector<16xf32>
        %swap3A_103 = arith.index_cast %scan3A_80 : i32 to index
        %swap3A_104 = arith.constant 16 : index
        %swap3A_105 = tpu.vector_load %arg7[%swap3A_103, %swap3A_104] {strides = array<i32>} : memref<200x64xf32, #tpu.memory_space<vmem>>, vector<1x16xf32>,
        %swap3A_106 = vector.shape_cast %swap3A_105 : vector<1x16xf32> to vector<16xf32>
        %swap3A_107 = vector.shape_cast %add3A_102 : vector<16xf32> to vector<1x16xf32>
        tpu.vector_store %arg7[%swap3A_103, %swap3A_104], %swap3A_107 {strides = array<i32>} : memref<200x64xf32, #tpu.memory_space<vmem>>, vector<1x16xf32>,
        %get3A_108 = arith.index_cast %scan3A_80 : i32 to index
        %get3A_109 = arith.constant 32 : index
        %get3A_110 = tpu.vector_load %arg7[%get3A_108, %get3A_109] {strides = array<i32>} : memref<200x64xf32, #tpu.memory_space<vmem>>, vector<1x16xf32>,
        %get3A_111 = vector.shape_cast %get3A_110 : vector<1x16xf32> to vector<16xf32>
        %get3A_112 = arith.index_cast %scan3A_80 : i32 to index
        %get3A_113 = arith.constant 32 : index
        %get3A_114 = tpu.vector_load %arg8[%get3A_112, %get3A_113] {strides = array<i32>} : memref<200x64xf32, #tpu.memory_space<vmem>>, vector<1x16xf32>,
        %get3A_115 = vector.shape_cast %get3A_114 : vector<1x16xf32> to vector<16xf32>
        %add3A_116 = arith.addf %get3A_111, %get3A_115 : vector<16xf32>
        %swap3A_117 = arith.index_cast %scan3A_80 : i32 to index
        %swap3A_118 = arith.constant 32 : index
        %swap3A_119 = tpu.vector_load %arg7[%swap3A_117, %swap3A_118] {strides = array<i32>} : memref<200x64xf32, #tpu.memory_space<vmem>>, vector<1x16xf32>,
        %swap3A_120 = vector.shape_cast %swap3A_119 : vector<1x16xf32> to vector<16xf32>
        %swap3A_121 = vector.shape_cast %add3A_116 : vector<16xf32> to vector<1x16xf32>
        tpu.vector_store %arg7[%swap3A_117, %swap3A_118], %swap3A_121 {strides = array<i32>} : memref<200x64xf32, #tpu.memory_space<vmem>>, vector<1x16xf32>,
        %get3A_122 = arith.index_cast %scan3A_80 : i32 to index
        %get3A_123 = arith.constant 48 : index
        %get3A_124 = tpu.vector_load %arg7[%get3A_122, %get3A_123] {strides = array<i32>} : memref<200x64xf32, #tpu.memory_space<vmem>>, vector<1x16xf32>,
        %get3A_125 = vector.shape_cast %get3A_124 : vector<1x16xf32> to vector<16xf32>
        %get3A_126 = arith.index_cast %scan3A_80 : i32 to index
        %get3A_127 = arith.constant 48 : index
        %get3A_128 = tpu.vector_load %arg8[%get3A_126, %get3A_127] {strides = array<i32>} : memref<200x64xf32, #tpu.memory_space<vmem>>, vector<1x16xf32>,
        %get3A_129 = vector.shape_cast %get3A_128 : vector<1x16xf32> to vector<16xf32>
        %add3A_130 = arith.addf %get3A_125, %get3A_129 : vector<16xf32>
        %swap3A_131 = arith.index_cast %scan3A_80 : i32 to index
        %swap3A_132 = arith.constant 48 : index
        %swap3A_133 = tpu.vector_load %arg7[%swap3A_131, %swap3A_132] {strides = array<i32>} : memref<200x64xf32, #tpu.memory_space<vmem>>, vector<1x16xf32>,
        %swap3A_134 = vector.shape_cast %swap3A_133 : vector<1x16xf32> to vector<16xf32>
        %swap3A_135 = vector.shape_cast %add3A_130 : vector<16xf32> to vector<1x16xf32>
        tpu.vector_store %arg7[%swap3A_131, %swap3A_132], %swap3A_135 {strides = array<i32>} : memref<200x64xf32, #tpu.memory_space<vmem>>, vector<1x16xf32>,
        %scan3A_136 = arith.constant 0 : i32
        scf.yield %scan3A_136 : i32
      }
      %scan3A_54 = arith.constant 200 : i32
      "tpu.region"() ({
        %run_scoped3A_80 = tpu.sem_alloc : memref<!tpu.dma_semaphore, #tpu.memory_space<semaphore_mem>>
        %dma_start3A = arith.constant 0 : i32
        %dma_start3A_81 = tpu.memref_slice %arg5[%multiple_of3A_45, %dma_start3A] : memref<819200x64xf32, #tpu.memory_space<hbm>> -> memref<200x64xf32, #tpu.memory_space<hbm>>
        %dma_start3A_82 = arith.constant 0 : i32
        %dma_start3A_83 = tpu.memref_slice %arg5[%multiple_of3A_45, %dma_start3A_82] : memref<819200x64xf32, #tpu.memory_space<hbm>> -> memref<200x64xf32, #tpu.memory_space<hbm>>
        tpu.enqueue_dma source(%arg7 : memref<200x64xf32, #tpu.memory_space<vmem>>) target(%dma_start3A_83 : memref<200x64xf32, #tpu.memory_space<hbm>>) target_semaphore(%run_scoped3A_80 : memref<!tpu.dma_semaphore, #tpu.memory_space<semaphore_mem>>)
        %dma_wait3A = arith.constant 0 : i32
        %dma_wait3A_84 = tpu.memref_slice %arg5[%multiple_of3A_45, %dma_wait3A] : memref<819200x64xf32, #tpu.memory_space<hbm>> -> memref<200x64xf32, #tpu.memory_space<hbm>>
        %dma_wait3A_85 = arith.constant 0 : i32
        %dma_wait3A_86 = tpu.memref_slice %arg5[%multiple_of3A_45, %dma_wait3A_85] : memref<819200x64xf32, #tpu.memory_space<hbm>> -> memref<200x64xf32, #tpu.memory_space<hbm>>
        tpu.wait_dma2 semaphore(%run_scoped3A_80 : memref<!tpu.dma_semaphore, #tpu.memory_space<semaphore_mem>>) src(%arg7 : memref<200x64xf32, #tpu.memory_space<vmem>>) dst(%dma_wait3A_86 : memref<200x64xf32, #tpu.memory_space<hbm>>)
        tpu.yield
      }) : () -> ()
      %add3A_55 = arith.constant 400 : i32
      %add3A_56 = arith.addi %add3A_15, %add3A_55 : i32
      %multiple_of3A_57 = tpu.assume_multiple %add3A_56, 8 : i32
      %run_scoped3A_58 = arith.constant 4 : i32
      "tpu.region"() ({
        %run_scoped3A_80 = tpu.sem_alloc : memref<!tpu.dma_semaphore, #tpu.memory_space<semaphore_mem>>
        %dma_start3A = arith.constant 0 : i32
        %dma_start3A_81 = arith.constant 0 : i32
        %dma_start3A_82 = tpu.memref_slice %arg7[%dma_start3A, %dma_start3A_81] : memref<200x64xf32, #tpu.memory_space<vmem>> -> memref<100x64xf32, #tpu.memory_space<vmem>>
        %dma_start3A_83 = arith.constant 0 : i32
        %dma_start3A_84 = tpu.memref_slice %arg6[%run_scoped3A_58, %dma_start3A_83] : memref<8x100xi32, #tpu.memory_space<vmem>> -> memref<1x100xi32, #tpu.memory_space<vmem>>
        %dma_start3A_85 = tpu.memref_squeeze %dma_start3A_84 : memref<1x100xi32, #tpu.memory_space<vmem>> -> memref<100xi32, #tpu.memory_space<vmem>>
        %dma_start3A_86 = arith.constant 0 : i32
        %dma_start3A_87 = arith.constant 0 : i32
        %dma_start3A_88 = tpu.memref_slice %arg3[%dma_start3A_86, %dma_start3A_87] : memref<1000000x64xf32, #tpu.memory_space<hbm>> -> memref<1000000x64xf32, #tpu.memory_space<hbm>>
        tpu.enqueue_indirect_dma source(%dma_start3A_88 : memref<1000000x64xf32, #tpu.memory_space<hbm>>) target(%dma_start3A_82 : memref<100x64xf32, #tpu.memory_space<vmem>>) offsets(%dma_start3A_85 : memref<100xi32, #tpu.memory_space<vmem>>) semaphore(%run_scoped3A_80 : memref<!tpu.dma_semaphore, #tpu.memory_space<semaphore_mem>>)
        %dma_wait3A = arith.constant 0 : i32
        %dma_wait3A_89 = arith.constant 0 : i32
        %dma_wait3A_90 = tpu.memref_slice %arg7[%dma_wait3A, %dma_wait3A_89] : memref<200x64xf32, #tpu.memory_space<vmem>> -> memref<100x64xf32, #tpu.memory_space<vmem>>
        %dma_wait3A_91 = arith.constant 0 : i32
        %dma_wait3A_92 = tpu.memref_slice %arg6[%run_scoped3A_58, %dma_wait3A_91] : memref<8x100xi32, #tpu.memory_space<vmem>> -> memref<1x100xi32, #tpu.memory_space<vmem>>
        %dma_wait3A_93 = tpu.memref_squeeze %dma_wait3A_92 : memref<1x100xi32, #tpu.memory_space<vmem>> -> memref<100xi32, #tpu.memory_space<vmem>>
        %dma_wait3A_94 = arith.constant 0 : i32
        %dma_wait3A_95 = arith.constant 0 : i32
        %dma_wait3A_96 = tpu.memref_slice %arg3[%dma_wait3A_94, %dma_wait3A_95] : memref<1000000x64xf32, #tpu.memory_space<hbm>> -> memref<1000000x64xf32, #tpu.memory_space<hbm>>
        tpu.wait_indirect_dma semaphore(%run_scoped3A_80 : memref<!tpu.dma_semaphore, #tpu.memory_space<semaphore_mem>>) src(%dma_wait3A_96 : memref<1000000x64xf32, #tpu.memory_space<hbm>>) dst(%dma_wait3A_90 : memref<100x64xf32, #tpu.memory_space<vmem>>)
        tpu.yield
      }) : () -> ()
      %run_scoped3A_59 = arith.constant 5 : i32
      "tpu.region"() ({
        %run_scoped3A_80 = tpu.sem_alloc : memref<!tpu.dma_semaphore, #tpu.memory_space<semaphore_mem>>
        %dma_start3A = arith.constant 100 : i32
        %dma_start3A_81 = arith.constant 0 : i32
        %dma_start3A_82 = tpu.memref_slice %arg7[%dma_start3A, %dma_start3A_81] : memref<200x64xf32, #tpu.memory_space<vmem>> -> memref<100x64xf32, #tpu.memory_space<vmem>>
        %dma_start3A_83 = arith.constant 0 : i32
        %dma_start3A_84 = tpu.memref_slice %arg6[%run_scoped3A_59, %dma_start3A_83] : memref<8x100xi32, #tpu.memory_space<vmem>> -> memref<1x100xi32, #tpu.memory_space<vmem>>
        %dma_start3A_85 = tpu.memref_squeeze %dma_start3A_84 : memref<1x100xi32, #tpu.memory_space<vmem>> -> memref<100xi32, #tpu.memory_space<vmem>>
        %dma_start3A_86 = arith.constant 0 : i32
        %dma_start3A_87 = arith.constant 0 : i32
        %dma_start3A_88 = tpu.memref_slice %arg3[%dma_start3A_86, %dma_start3A_87] : memref<1000000x64xf32, #tpu.memory_space<hbm>> -> memref<1000000x64xf32, #tpu.memory_space<hbm>>
        tpu.enqueue_indirect_dma source(%dma_start3A_88 : memref<1000000x64xf32, #tpu.memory_space<hbm>>) target(%dma_start3A_82 : memref<100x64xf32, #tpu.memory_space<vmem>>) offsets(%dma_start3A_85 : memref<100xi32, #tpu.memory_space<vmem>>) semaphore(%run_scoped3A_80 : memref<!tpu.dma_semaphore, #tpu.memory_space<semaphore_mem>>)
        %dma_wait3A = arith.constant 100 : i32
        %dma_wait3A_89 = arith.constant 0 : i32
        %dma_wait3A_90 = tpu.memref_slice %arg7[%dma_wait3A, %dma_wait3A_89] : memref<200x64xf32, #tpu.memory_space<vmem>> -> memref<100x64xf32, #tpu.memory_space<vmem>>
        %dma_wait3A_91 = arith.constant 0 : i32
        %dma_wait3A_92 = tpu.memref_slice %arg6[%run_scoped3A_59, %dma_wait3A_91] : memref<8x100xi32, #tpu.memory_space<vmem>> -> memref<1x100xi32, #tpu.memory_space<vmem>>
        %dma_wait3A_93 = tpu.memref_squeeze %dma_wait3A_92 : memref<1x100xi32, #tpu.memory_space<vmem>> -> memref<100xi32, #tpu.memory_space<vmem>>
        %dma_wait3A_94 = arith.constant 0 : i32
        %dma_wait3A_95 = arith.constant 0 : i32
        %dma_wait3A_96 = tpu.memref_slice %arg3[%dma_wait3A_94, %dma_wait3A_95] : memref<1000000x64xf32, #tpu.memory_space<hbm>> -> memref<1000000x64xf32, #tpu.memory_space<hbm>>
        tpu.wait_indirect_dma semaphore(%run_scoped3A_80 : memref<!tpu.dma_semaphore, #tpu.memory_space<semaphore_mem>>) src(%dma_wait3A_96 : memref<1000000x64xf32, #tpu.memory_space<hbm>>) dst(%dma_wait3A_90 : memref<100x64xf32, #tpu.memory_space<vmem>>)
        tpu.yield
      }) : () -> ()
      %scan3A_60 = arith.constant 0 : i32
      %scan3A_61 = arith.constant 0 : i32
      %scan3A_62 = arith.constant 200 : i32
      %scan3A_63 = arith.addi %scan3A_61, %scan3A_62 : i32
      %scan3A_64 = arith.constant 1 : i32
      %scan3A_65 = scf.for %scan3A_80 = %scan3A_61 to %scan3A_63 step %scan3A_64 iter_args(%scan3A_81 = %scan3A_60) -> (i32)  : i32 {
        %get3A = arith.index_cast %scan3A_80 : i32 to index
        %get3A_82 = arith.constant 0 : index
        %get3A_83 = tpu.vector_load %arg7[%get3A, %get3A_82] {strides = array<i32>} : memref<200x64xf32, #tpu.memory_space<vmem>>, vector<1x16xf32>,
        %get3A_84 = vector.shape_cast %get3A_83 : vector<1x16xf32> to vector<16xf32>
        %get3A_85 = arith.index_cast %scan3A_80 : i32 to index
        %get3A_86 = arith.constant 0 : index
        %get3A_87 = tpu.vector_load %arg8[%get3A_85, %get3A_86] {strides = array<i32>} : memref<200x64xf32, #tpu.memory_space<vmem>>, vector<1x16xf32>,
        %get3A_88 = vector.shape_cast %get3A_87 : vector<1x16xf32> to vector<16xf32>
        %add3A_89 = arith.addf %get3A_84, %get3A_88 : vector<16xf32>
        %swap3A = arith.index_cast %scan3A_80 : i32 to index
        %swap3A_90 = arith.constant 0 : index
        %swap3A_91 = tpu.vector_load %arg7[%swap3A, %swap3A_90] {strides = array<i32>} : memref<200x64xf32, #tpu.memory_space<vmem>>, vector<1x16xf32>,
        %swap3A_92 = vector.shape_cast %swap3A_91 : vector<1x16xf32> to vector<16xf32>
        %swap3A_93 = vector.shape_cast %add3A_89 : vector<16xf32> to vector<1x16xf32>
        tpu.vector_store %arg7[%swap3A, %swap3A_90], %swap3A_93 {strides = array<i32>} : memref<200x64xf32, #tpu.memory_space<vmem>>, vector<1x16xf32>,
        %get3A_94 = arith.index_cast %scan3A_80 : i32 to index
        %get3A_95 = arith.constant 16 : index
        %get3A_96 = tpu.vector_load %arg7[%get3A_94, %get3A_95] {strides = array<i32>} : memref<200x64xf32, #tpu.memory_space<vmem>>, vector<1x16xf32>,
        %get3A_97 = vector.shape_cast %get3A_96 : vector<1x16xf32> to vector<16xf32>
        %get3A_98 = arith.index_cast %scan3A_80 : i32 to index
        %get3A_99 = arith.constant 16 : index
        %get3A_100 = tpu.vector_load %arg8[%get3A_98, %get3A_99] {strides = array<i32>} : memref<200x64xf32, #tpu.memory_space<vmem>>, vector<1x16xf32>,
        %get3A_101 = vector.shape_cast %get3A_100 : vector<1x16xf32> to vector<16xf32>
        %add3A_102 = arith.addf %get3A_97, %get3A_101 : vector<16xf32>
        %swap3A_103 = arith.index_cast %scan3A_80 : i32 to index
        %swap3A_104 = arith.constant 16 : index
        %swap3A_105 = tpu.vector_load %arg7[%swap3A_103, %swap3A_104] {strides = array<i32>} : memref<200x64xf32, #tpu.memory_space<vmem>>, vector<1x16xf32>,
        %swap3A_106 = vector.shape_cast %swap3A_105 : vector<1x16xf32> to vector<16xf32>
        %swap3A_107 = vector.shape_cast %add3A_102 : vector<16xf32> to vector<1x16xf32>
        tpu.vector_store %arg7[%swap3A_103, %swap3A_104], %swap3A_107 {strides = array<i32>} : memref<200x64xf32, #tpu.memory_space<vmem>>, vector<1x16xf32>,
        %get3A_108 = arith.index_cast %scan3A_80 : i32 to index
        %get3A_109 = arith.constant 32 : index
        %get3A_110 = tpu.vector_load %arg7[%get3A_108, %get3A_109] {strides = array<i32>} : memref<200x64xf32, #tpu.memory_space<vmem>>, vector<1x16xf32>,
        %get3A_111 = vector.shape_cast %get3A_110 : vector<1x16xf32> to vector<16xf32>
        %get3A_112 = arith.index_cast %scan3A_80 : i32 to index
        %get3A_113 = arith.constant 32 : index
        %get3A_114 = tpu.vector_load %arg8[%get3A_112, %get3A_113] {strides = array<i32>} : memref<200x64xf32, #tpu.memory_space<vmem>>, vector<1x16xf32>,
        %get3A_115 = vector.shape_cast %get3A_114 : vector<1x16xf32> to vector<16xf32>
        %add3A_116 = arith.addf %get3A_111, %get3A_115 : vector<16xf32>
        %swap3A_117 = arith.index_cast %scan3A_80 : i32 to index
        %swap3A_118 = arith.constant 32 : index
        %swap3A_119 = tpu.vector_load %arg7[%swap3A_117, %swap3A_118] {strides = array<i32>} : memref<200x64xf32, #tpu.memory_space<vmem>>, vector<1x16xf32>,
        %swap3A_120 = vector.shape_cast %swap3A_119 : vector<1x16xf32> to vector<16xf32>
        %swap3A_121 = vector.shape_cast %add3A_116 : vector<16xf32> to vector<1x16xf32>
        tpu.vector_store %arg7[%swap3A_117, %swap3A_118], %swap3A_121 {strides = array<i32>} : memref<200x64xf32, #tpu.memory_space<vmem>>, vector<1x16xf32>,
        %get3A_122 = arith.index_cast %scan3A_80 : i32 to index
        %get3A_123 = arith.constant 48 : index
        %get3A_124 = tpu.vector_load %arg7[%get3A_122, %get3A_123] {strides = array<i32>} : memref<200x64xf32, #tpu.memory_space<vmem>>, vector<1x16xf32>,
        %get3A_125 = vector.shape_cast %get3A_124 : vector<1x16xf32> to vector<16xf32>
        %get3A_126 = arith.index_cast %scan3A_80 : i32 to index
        %get3A_127 = arith.constant 48 : index
        %get3A_128 = tpu.vector_load %arg8[%get3A_126, %get3A_127] {strides = array<i32>} : memref<200x64xf32, #tpu.memory_space<vmem>>, vector<1x16xf32>,
        %get3A_129 = vector.shape_cast %get3A_128 : vector<1x16xf32> to vector<16xf32>
        %add3A_130 = arith.addf %get3A_125, %get3A_129 : vector<16xf32>
        %swap3A_131 = arith.index_cast %scan3A_80 : i32 to index
        %swap3A_132 = arith.constant 48 : index
        %swap3A_133 = tpu.vector_load %arg7[%swap3A_131, %swap3A_132] {strides = array<i32>} : memref<200x64xf32, #tpu.memory_space<vmem>>, vector<1x16xf32>,
        %swap3A_134 = vector.shape_cast %swap3A_133 : vector<1x16xf32> to vector<16xf32>
        %swap3A_135 = vector.shape_cast %add3A_130 : vector<16xf32> to vector<1x16xf32>
        tpu.vector_store %arg7[%swap3A_131, %swap3A_132], %swap3A_135 {strides = array<i32>} : memref<200x64xf32, #tpu.memory_space<vmem>>, vector<1x16xf32>,
        %scan3A_136 = arith.constant 0 : i32
        scf.yield %scan3A_136 : i32
      }
      %scan3A_66 = arith.constant 200 : i32
      "tpu.region"() ({
        %run_scoped3A_80 = tpu.sem_alloc : memref<!tpu.dma_semaphore, #tpu.memory_space<semaphore_mem>>
        %dma_start3A = arith.constant 0 : i32
        %dma_start3A_81 = tpu.memref_slice %arg5[%multiple_of3A_57, %dma_start3A] : memref<819200x64xf32, #tpu.memory_space<hbm>> -> memref<200x64xf32, #tpu.memory_space<hbm>>
        %dma_start3A_82 = arith.constant 0 : i32
        %dma_start3A_83 = tpu.memref_slice %arg5[%multiple_of3A_57, %dma_start3A_82] : memref<819200x64xf32, #tpu.memory_space<hbm>> -> memref<200x64xf32, #tpu.memory_space<hbm>>
        tpu.enqueue_dma source(%arg7 : memref<200x64xf32, #tpu.memory_space<vmem>>) target(%dma_start3A_83 : memref<200x64xf32, #tpu.memory_space<hbm>>) target_semaphore(%run_scoped3A_80 : memref<!tpu.dma_semaphore, #tpu.memory_space<semaphore_mem>>)
        %dma_wait3A = arith.constant 0 : i32
        %dma_wait3A_84 = tpu.memref_slice %arg5[%multiple_of3A_57, %dma_wait3A] : memref<819200x64xf32, #tpu.memory_space<hbm>> -> memref<200x64xf32, #tpu.memory_space<hbm>>
        %dma_wait3A_85 = arith.constant 0 : i32
        %dma_wait3A_86 = tpu.memref_slice %arg5[%multiple_of3A_57, %dma_wait3A_85] : memref<819200x64xf32, #tpu.memory_space<hbm>> -> memref<200x64xf32, #tpu.memory_space<hbm>>
        tpu.wait_dma2 semaphore(%run_scoped3A_80 : memref<!tpu.dma_semaphore, #tpu.memory_space<semaphore_mem>>) src(%arg7 : memref<200x64xf32, #tpu.memory_space<vmem>>) dst(%dma_wait3A_86 : memref<200x64xf32, #tpu.memory_space<hbm>>)
        tpu.yield
      }) : () -> ()
      %add3A_67 = arith.constant 600 : i32
      %add3A_68 = arith.addi %add3A_15, %add3A_67 : i32
      %multiple_of3A_69 = tpu.assume_multiple %add3A_68, 8 : i32
      %run_scoped3A_70 = arith.constant 6 : i32
      "tpu.region"() ({
        %run_scoped3A_80 = tpu.sem_alloc : memref<!tpu.dma_semaphore, #tpu.memory_space<semaphore_mem>>
        %dma_start3A = arith.constant 0 : i32
        %dma_start3A_81 = arith.constant 0 : i32
        %dma_start3A_82 = tpu.memref_slice %arg7[%dma_start3A, %dma_start3A_81] : memref<200x64xf32, #tpu.memory_space<vmem>> -> memref<100x64xf32, #tpu.memory_space<vmem>>
        %dma_start3A_83 = arith.constant 0 : i32
        %dma_start3A_84 = tpu.memref_slice %arg6[%run_scoped3A_70, %dma_start3A_83] : memref<8x100xi32, #tpu.memory_space<vmem>> -> memref<1x100xi32, #tpu.memory_space<vmem>>
        %dma_start3A_85 = tpu.memref_squeeze %dma_start3A_84 : memref<1x100xi32, #tpu.memory_space<vmem>> -> memref<100xi32, #tpu.memory_space<vmem>>
        %dma_start3A_86 = arith.constant 0 : i32
        %dma_start3A_87 = arith.constant 0 : i32
        %dma_start3A_88 = tpu.memref_slice %arg3[%dma_start3A_86, %dma_start3A_87] : memref<1000000x64xf32, #tpu.memory_space<hbm>> -> memref<1000000x64xf32, #tpu.memory_space<hbm>>
        tpu.enqueue_indirect_dma source(%dma_start3A_88 : memref<1000000x64xf32, #tpu.memory_space<hbm>>) target(%dma_start3A_82 : memref<100x64xf32, #tpu.memory_space<vmem>>) offsets(%dma_start3A_85 : memref<100xi32, #tpu.memory_space<vmem>>) semaphore(%run_scoped3A_80 : memref<!tpu.dma_semaphore, #tpu.memory_space<semaphore_mem>>)
        %dma_wait3A = arith.constant 0 : i32
        %dma_wait3A_89 = arith.constant 0 : i32
        %dma_wait3A_90 = tpu.memref_slice %arg7[%dma_wait3A, %dma_wait3A_89] : memref<200x64xf32, #tpu.memory_space<vmem>> -> memref<100x64xf32, #tpu.memory_space<vmem>>
        %dma_wait3A_91 = arith.constant 0 : i32
        %dma_wait3A_92 = tpu.memref_slice %arg6[%run_scoped3A_70, %dma_wait3A_91] : memref<8x100xi32, #tpu.memory_space<vmem>> -> memref<1x100xi32, #tpu.memory_space<vmem>>
        %dma_wait3A_93 = tpu.memref_squeeze %dma_wait3A_92 : memref<1x100xi32, #tpu.memory_space<vmem>> -> memref<100xi32, #tpu.memory_space<vmem>>
        %dma_wait3A_94 = arith.constant 0 : i32
        %dma_wait3A_95 = arith.constant 0 : i32
        %dma_wait3A_96 = tpu.memref_slice %arg3[%dma_wait3A_94, %dma_wait3A_95] : memref<1000000x64xf32, #tpu.memory_space<hbm>> -> memref<1000000x64xf32, #tpu.memory_space<hbm>>
        tpu.wait_indirect_dma semaphore(%run_scoped3A_80 : memref<!tpu.dma_semaphore, #tpu.memory_space<semaphore_mem>>) src(%dma_wait3A_96 : memref<1000000x64xf32, #tpu.memory_space<hbm>>) dst(%dma_wait3A_90 : memref<100x64xf32, #tpu.memory_space<vmem>>)
        tpu.yield
      }) : () -> ()
      %run_scoped3A_71 = arith.constant 7 : i32
      "tpu.region"() ({
        %run_scoped3A_80 = tpu.sem_alloc : memref<!tpu.dma_semaphore, #tpu.memory_space<semaphore_mem>>
        %dma_start3A = arith.constant 100 : i32
        %dma_start3A_81 = arith.constant 0 : i32
        %dma_start3A_82 = tpu.memref_slice %arg7[%dma_start3A, %dma_start3A_81] : memref<200x64xf32, #tpu.memory_space<vmem>> -> memref<100x64xf32, #tpu.memory_space<vmem>>
        %dma_start3A_83 = arith.constant 0 : i32
        %dma_start3A_84 = tpu.memref_slice %arg6[%run_scoped3A_71, %dma_start3A_83] : memref<8x100xi32, #tpu.memory_space<vmem>> -> memref<1x100xi32, #tpu.memory_space<vmem>>
        %dma_start3A_85 = tpu.memref_squeeze %dma_start3A_84 : memref<1x100xi32, #tpu.memory_space<vmem>> -> memref<100xi32, #tpu.memory_space<vmem>>
        %dma_start3A_86 = arith.constant 0 : i32
        %dma_start3A_87 = arith.constant 0 : i32
        %dma_start3A_88 = tpu.memref_slice %arg3[%dma_start3A_86, %dma_start3A_87] : memref<1000000x64xf32, #tpu.memory_space<hbm>> -> memref<1000000x64xf32, #tpu.memory_space<hbm>>
        tpu.enqueue_indirect_dma source(%dma_start3A_88 : memref<1000000x64xf32, #tpu.memory_space<hbm>>) target(%dma_start3A_82 : memref<100x64xf32, #tpu.memory_space<vmem>>) offsets(%dma_start3A_85 : memref<100xi32, #tpu.memory_space<vmem>>) semaphore(%run_scoped3A_80 : memref<!tpu.dma_semaphore, #tpu.memory_space<semaphore_mem>>)
        %dma_wait3A = arith.constant 100 : i32
        %dma_wait3A_89 = arith.constant 0 : i32
        %dma_wait3A_90 = tpu.memref_slice %arg7[%dma_wait3A, %dma_wait3A_89] : memref<200x64xf32, #tpu.memory_space<vmem>> -> memref<100x64xf32, #tpu.memory_space<vmem>>
        %dma_wait3A_91 = arith.constant 0 : i32
        %dma_wait3A_92 = tpu.memref_slice %arg6[%run_scoped3A_71, %dma_wait3A_91] : memref<8x100xi32, #tpu.memory_space<vmem>> -> memref<1x100xi32, #tpu.memory_space<vmem>>
        %dma_wait3A_93 = tpu.memref_squeeze %dma_wait3A_92 : memref<1x100xi32, #tpu.memory_space<vmem>> -> memref<100xi32, #tpu.memory_space<vmem>>
        %dma_wait3A_94 = arith.constant 0 : i32
        %dma_wait3A_95 = arith.constant 0 : i32
        %dma_wait3A_96 = tpu.memref_slice %arg3[%dma_wait3A_94, %dma_wait3A_95] : memref<1000000x64xf32, #tpu.memory_space<hbm>> -> memref<1000000x64xf32, #tpu.memory_space<hbm>>
        tpu.wait_indirect_dma semaphore(%run_scoped3A_80 : memref<!tpu.dma_semaphore, #tpu.memory_space<semaphore_mem>>) src(%dma_wait3A_96 : memref<1000000x64xf32, #tpu.memory_space<hbm>>) dst(%dma_wait3A_90 : memref<100x64xf32, #tpu.memory_space<vmem>>)
        tpu.yield
      }) : () -> ()
      %scan3A_72 = arith.constant 0 : i32
      %scan3A_73 = arith.constant 0 : i32
      %scan3A_74 = arith.constant 200 : i32
      %scan3A_75 = arith.addi %scan3A_73, %scan3A_74 : i32
      %scan3A_76 = arith.constant 1 : i32
      %scan3A_77 = scf.for %scan3A_80 = %scan3A_73 to %scan3A_75 step %scan3A_76 iter_args(%scan3A_81 = %scan3A_72) -> (i32)  : i32 {
        %get3A = arith.index_cast %scan3A_80 : i32 to index
        %get3A_82 = arith.constant 0 : index
        %get3A_83 = tpu.vector_load %arg7[%get3A, %get3A_82] {strides = array<i32>} : memref<200x64xf32, #tpu.memory_space<vmem>>, vector<1x16xf32>,
        %get3A_84 = vector.shape_cast %get3A_83 : vector<1x16xf32> to vector<16xf32>
        %get3A_85 = arith.index_cast %scan3A_80 : i32 to index
        %get3A_86 = arith.constant 0 : index
        %get3A_87 = tpu.vector_load %arg8[%get3A_85, %get3A_86] {strides = array<i32>} : memref<200x64xf32, #tpu.memory_space<vmem>>, vector<1x16xf32>,
        %get3A_88 = vector.shape_cast %get3A_87 : vector<1x16xf32> to vector<16xf32>
        %add3A_89 = arith.addf %get3A_84, %get3A_88 : vector<16xf32>
        %swap3A = arith.index_cast %scan3A_80 : i32 to index
        %swap3A_90 = arith.constant 0 : index
        %swap3A_91 = tpu.vector_load %arg7[%swap3A, %swap3A_90] {strides = array<i32>} : memref<200x64xf32, #tpu.memory_space<vmem>>, vector<1x16xf32>,
        %swap3A_92 = vector.shape_cast %swap3A_91 : vector<1x16xf32> to vector<16xf32>
        %swap3A_93 = vector.shape_cast %add3A_89 : vector<16xf32> to vector<1x16xf32>
        tpu.vector_store %arg7[%swap3A, %swap3A_90], %swap3A_93 {strides = array<i32>} : memref<200x64xf32, #tpu.memory_space<vmem>>, vector<1x16xf32>,
        %get3A_94 = arith.index_cast %scan3A_80 : i32 to index
        %get3A_95 = arith.constant 16 : index
        %get3A_96 = tpu.vector_load %arg7[%get3A_94, %get3A_95] {strides = array<i32>} : memref<200x64xf32, #tpu.memory_space<vmem>>, vector<1x16xf32>,
        %get3A_97 = vector.shape_cast %get3A_96 : vector<1x16xf32> to vector<16xf32>
        %get3A_98 = arith.index_cast %scan3A_80 : i32 to index
        %get3A_99 = arith.constant 16 : index
        %get3A_100 = tpu.vector_load %arg8[%get3A_98, %get3A_99] {strides = array<i32>} : memref<200x64xf32, #tpu.memory_space<vmem>>, vector<1x16xf32>,
        %get3A_101 = vector.shape_cast %get3A_100 : vector<1x16xf32> to vector<16xf32>
        %add3A_102 = arith.addf %get3A_97, %get3A_101 : vector<16xf32>
        %swap3A_103 = arith.index_cast %scan3A_80 : i32 to index
        %swap3A_104 = arith.constant 16 : index
        %swap3A_105 = tpu.vector_load %arg7[%swap3A_103, %swap3A_104] {strides = array<i32>} : memref<200x64xf32, #tpu.memory_space<vmem>>, vector<1x16xf32>,
        %swap3A_106 = vector.shape_cast %swap3A_105 : vector<1x16xf32> to vector<16xf32>
        %swap3A_107 = vector.shape_cast %add3A_102 : vector<16xf32> to vector<1x16xf32>
        tpu.vector_store %arg7[%swap3A_103, %swap3A_104], %swap3A_107 {strides = array<i32>} : memref<200x64xf32, #tpu.memory_space<vmem>>, vector<1x16xf32>,
        %get3A_108 = arith.index_cast %scan3A_80 : i32 to index
        %get3A_109 = arith.constant 32 : index
        %get3A_110 = tpu.vector_load %arg7[%get3A_108, %get3A_109] {strides = array<i32>} : memref<200x64xf32, #tpu.memory_space<vmem>>, vector<1x16xf32>,
        %get3A_111 = vector.shape_cast %get3A_110 : vector<1x16xf32> to vector<16xf32>
        %get3A_112 = arith.index_cast %scan3A_80 : i32 to index
        %get3A_113 = arith.constant 32 : index
        %get3A_114 = tpu.vector_load %arg8[%get3A_112, %get3A_113] {strides = array<i32>} : memref<200x64xf32, #tpu.memory_space<vmem>>, vector<1x16xf32>,
        %get3A_115 = vector.shape_cast %get3A_114 : vector<1x16xf32> to vector<16xf32>
        %add3A_116 = arith.addf %get3A_111, %get3A_115 : vector<16xf32>
        %swap3A_117 = arith.index_cast %scan3A_80 : i32 to index
        %swap3A_118 = arith.constant 32 : index
        %swap3A_119 = tpu.vector_load %arg7[%swap3A_117, %swap3A_118] {strides = array<i32>} : memref<200x64xf32, #tpu.memory_space<vmem>>, vector<1x16xf32>,
        %swap3A_120 = vector.shape_cast %swap3A_119 : vector<1x16xf32> to vector<16xf32>
        %swap3A_121 = vector.shape_cast %add3A_116 : vector<16xf32> to vector<1x16xf32>
        tpu.vector_store %arg7[%swap3A_117, %swap3A_118], %swap3A_121 {strides = array<i32>} : memref<200x64xf32, #tpu.memory_space<vmem>>, vector<1x16xf32>,
        %get3A_122 = arith.index_cast %scan3A_80 : i32 to index
        %get3A_123 = arith.constant 48 : index
        %get3A_124 = tpu.vector_load %arg7[%get3A_122, %get3A_123] {strides = array<i32>} : memref<200x64xf32, #tpu.memory_space<vmem>>, vector<1x16xf32>,
        %get3A_125 = vector.shape_cast %get3A_124 : vector<1x16xf32> to vector<16xf32>
        %get3A_126 = arith.index_cast %scan3A_80 : i32 to index
        %get3A_127 = arith.constant 48 : index
        %get3A_128 = tpu.vector_load %arg8[%get3A_126, %get3A_127] {strides = array<i32>} : memref<200x64xf32, #tpu.memory_space<vmem>>, vector<1x16xf32>,
        %get3A_129 = vector.shape_cast %get3A_128 : vector<1x16xf32> to vector<16xf32>
        %add3A_130 = arith.addf %get3A_125, %get3A_129 : vector<16xf32>
        %swap3A_131 = arith.index_cast %scan3A_80 : i32 to index
        %swap3A_132 = arith.constant 48 : index
        %swap3A_133 = tpu.vector_load %arg7[%swap3A_131, %swap3A_132] {strides = array<i32>} : memref<200x64xf32, #tpu.memory_space<vmem>>, vector<1x16xf32>,
        %swap3A_134 = vector.shape_cast %swap3A_133 : vector<1x16xf32> to vector<16xf32>
        %swap3A_135 = vector.shape_cast %add3A_130 : vector<16xf32> to vector<1x16xf32>
        tpu.vector_store %arg7[%swap3A_131, %swap3A_132], %swap3A_135 {strides = array<i32>} : memref<200x64xf32, #tpu.memory_space<vmem>>, vector<1x16xf32>,
        %scan3A_136 = arith.constant 0 : i32
        scf.yield %scan3A_136 : i32
      }
      %scan3A_78 = arith.constant 200 : i32
      "tpu.region"() ({
        %run_scoped3A_80 = tpu.sem_alloc : memref<!tpu.dma_semaphore, #tpu.memory_space<semaphore_mem>>
        %dma_start3A = arith.constant 0 : i32
        %dma_start3A_81 = tpu.memref_slice %arg5[%multiple_of3A_69, %dma_start3A] : memref<819200x64xf32, #tpu.memory_space<hbm>> -> memref<200x64xf32, #tpu.memory_space<hbm>>
        %dma_start3A_82 = arith.constant 0 : i32
        %dma_start3A_83 = tpu.memref_slice %arg5[%multiple_of3A_69, %dma_start3A_82] : memref<819200x64xf32, #tpu.memory_space<hbm>> -> memref<200x64xf32, #tpu.memory_space<hbm>>
        tpu.enqueue_dma source(%arg7 : memref<200x64xf32, #tpu.memory_space<vmem>>) target(%dma_start3A_83 : memref<200x64xf32, #tpu.memory_space<hbm>>) target_semaphore(%run_scoped3A_80 : memref<!tpu.dma_semaphore, #tpu.memory_space<semaphore_mem>>)
        %dma_wait3A = arith.constant 0 : i32
        %dma_wait3A_84 = tpu.memref_slice %arg5[%multiple_of3A_69, %dma_wait3A] : memref<819200x64xf32, #tpu.memory_space<hbm>> -> memref<200x64xf32, #tpu.memory_space<hbm>>
        %dma_wait3A_85 = arith.constant 0 : i32
        %dma_wait3A_86 = tpu.memref_slice %arg5[%multiple_of3A_69, %dma_wait3A_85] : memref<819200x64xf32, #tpu.memory_space<hbm>> -> memref<200x64xf32, #tpu.memory_space<hbm>>
        tpu.wait_dma2 semaphore(%run_scoped3A_80 : memref<!tpu.dma_semaphore, #tpu.memory_space<semaphore_mem>>) src(%arg7 : memref<200x64xf32, #tpu.memory_space<vmem>>) dst(%dma_wait3A_86 : memref<200x64xf32, #tpu.memory_space<hbm>>)
        tpu.yield
      }) : () -> ()
      %scan3A_79 = arith.constant 0 : i32
      scf.yield %scan3A_79 : i32
    }
    %scan3A_8 = arith.constant 32 : i32
    return
  }
}

</mosaic_0001>

<sc_bundles>
// kernel: kernel.3.cloned.1.call-start
scs
__scs_entry_jumppad:
0x0: {  	(pc) =	sbr.rel $0x88, $3  }
0x1: {  	(tag) =	ssettag $0x0;
	lr =	simm.s32 $0x1  }
0x2: {  	[smem:$0x3F9E] =	sst lr;
	_ =	strace $0xD0000000  }
0x3: {  	_ = 	snop  }
0x4: {  	_ = 	snop  }
0x5: {  	_ = 	snop  }
0x6: {  	_ = 	snop  }
0x7: {  	_ = 	snop  }
__scs_overlays_trampoline_lowered:
0x8: {  	[smem:$0x3FAD] =	sst s0  }
0x9: {  	[smem:$0x3FAE] =	sst s1  }
0xa: {  	[smem:$0x3FAF] =	sst s2  }
0xb: {  	[smem:$0x3FB0] =	sst s3  }
0xc: {  	[smem:$0x3FB1] =	sst s4  }
0xd: {  	[smem:$0x3FB2] =	sst s5  }
0xe: {  	[smem:$0x3FB3] =	sst s6  }
0xf: {  	[smem:$0x3FB4] =	sst s7  }
0x10: {  	[smem:$0x3FB5] =	sst s8  }
0x11: {  	[smem:$0x3FB6] =	sst s9;
	s0 =	simm.s32 @!p0 $0x0  }
0x12: {  	s1 =	sld [smem:$0x3F9C];
	s0 =	simm.s32 @p0 $0x1  }
0x13: {  	[smem:$0x3FB7] =	sst s0;
	s0 =	simm.s32 @!p1 $0x0  }
0x14: {  	s2 =	sld [smem:$0x3F9B];
	s0 =	simm.s32 @p1 $0x1  }
0x15: {  	[smem:$0x3FB8] =	sst s0;
	s0 =	simm.s32 @!p2 $0x0  }
0x16: {  	s3 =	sld [smem:$0x3FDB];
	s0 =	simm.s32 @p2 $0x1  }
0x17: {  	s4 =	simm.s32 $0x1BF5;
	[smem:$0x3FBA] =	sst s0  }
0x18: {  	s0 =	sld [smem:$0x3F9D];
	_ =	swait.ge [sflag:s4], $0x0  }
0x19: {  	s7 =	sld [smem:$0x3F9E]  }
0x1a: {  	s8 =	sadd.s32 $0xFFFFE003, lr  }
0x1b: {  	s9 =	sadd.s32 $0xFFFFFEF7, lr;
	s5 =	simm.s32 $0xFFFFFFFF;
	p2 =	slt.u32 s8, $0xFFFFF086  }
0x1c: {  	p1 =	slt.u32 s9, $0xF7A;
	s5 =	simm.s32 @!p2 $0x0  }
0x1d: {  	s5 =	simm.s32 @p1 $0x1;
	p0 =	seq.s32 s7, s2  }
0x1e: {  	s7 =	smul.u32 @!p0 $0xF7A, s2;
	p2 =	seq.s32 @!p0 s5, $0x0  }
0x1f: {  	s9 =	smul.u32 $0xF7A, s1;
	s8 =	simm.s32 @!p0 $0x1BF5;
	p2 =	por !p2, p0  }
0x20: {  	[sflag:s8] =	ssyncset.s32 @!p0 $0xFFFFF086;
	s6 =	sadd.s32 @!p0 s3, s7;
	s7 =	simm.s32 @!p0 $0x108  }
0x21: {  	s3 =	sadd.s32 s3, s9;
	s6 =	sadd.s32 @!p0 $0x88, s6;
	s7 =	simm.s32 @p2 $0x1082  }
0x22: {  	[simem:s7], [sflag:s8] =	dma.local @!p0 [hbm:s6], $0xF7A  }
0x23: {  	s9 =	sor.u32 $0xD0000000, s2;
	s6 =	simm.s32 $0x108;
	_ =	swait.ge @!p0 [sflag:s8], $0x0  }
0x24: {  	s3 =	sadd.s32 $0x88, s3;
	s6 =	simm.s32 @!p1 $0x1082;
	[sflag:s4] =	ssyncset.s32 $0xFFFFF086  }
0x25: {  	[simem:s6], [sflag:s4] =	dma.local [hbm:s3], $0xF7A  }
0x26: {  	[smem:$0x3F9E] =	sst s1;
	(tag) =	ssettag s2;
	_ =	strace s9  }
0x27: {  	s1 =	sld [smem:$0x3FAE]  }
0x28: {  	s2 =	sld [smem:$0x3FAF]  }
0x29: {  	s4 =	sld [smem:$0x3FB1]  }
0x2a: {  	p0 =	seq.s32 s5, $0x0;
	s5 =	sld [smem:$0x3FB2]  }
0x2b: {  	s6 =	sld [smem:$0x3FB3]  }
0x2c: {  	s7 =	sld [smem:$0x3FB4]  }
0x2d: {  	s3 =	simm.s32 $0x108;
	s8 =	sld [smem:$0x3FB5]  }
0x2e: {  	s3 =	simm.s32 @!p0 $0x1082;
	s9 =	sld [smem:$0x3FB6]  }
0x2f: {  	lr =	sadd.s32 s0, s3;
	s0 =	sld [smem:$0x3FAD]  }
0x30: {  	s3 =	sld [smem:$0x3FB0]  }
0x31: {  	[smem:$0x3FB9] =	sst s10  }
0x32: {  	s10 =	sld [smem:$0x3FB7];
	_ =	sdelay $0x3  }
0x33: {  	p0 =	seq.s32 s10, $0x1;
	s10 =	sld [smem:$0x3FB9];
	_ =	sdelay $0x3  }
0x34: {  	[smem:$0x3FB9] =	sst s10  }
0x35: {  	s10 =	sld [smem:$0x3FB8];
	_ =	sdelay $0x3  }
0x36: {  	p1 =	seq.s32 s10, $0x1;
	s10 =	sld [smem:$0x3FB9];
	_ =	sdelay $0x3  }
0x37: {  	[smem:$0x3FB9] =	sst s10  }
0x38: {  	s10 =	sld [smem:$0x3FBA]  }
0x39: {  	_ = 	snop;
	(pc) =	sbr.ind lr, $3  }
0x3a: {  	_ = 	snop  }
0x3b: {  	_ = 	snop  }
0x3c: {  	p2 =	seq.s32 s10, $0x1;
	s10 =	sld [smem:$0x3FB9]  }
0x3d: {  	_ =	shalt  }
0x3e: {  	_ =	shalt  }
0x3f: {  	_ =	shalt  }
0x40: {  	_ =	shalt  }
0x41: {  	_ =	shalt  }
0x42: {  	_ =	shalt  }
0x43: {  	_ =	shalt  }
0x44: {  	_ =	shalt  }
0x45: {  	_ =	shalt  }
0x46: {  	_ =	shalt  }
0x47: {  	_ =	shalt  }
0x48: {  	_ =	shalt  }
0x49: {  	_ =	shalt  }
0x4a: {  	_ =	shalt  }
0x4b: {  	_ =	shalt  }
0x4c: {  	_ =	shalt  }
0x4d: {  	_ =	shalt  }
0x4e: {  	_ =	shalt  }
0x4f: {  	_ =	shalt  }
0x50: {  	_ =	shalt  }
0x51: {  	_ =	shalt  }
0x52: {  	_ =	shalt  }
0x53: {  	_ =	shalt  }
0x54: {  	_ =	shalt  }
0x55: {  	_ =	shalt  }
0x56: {  	_ =	shalt  }
0x57: {  	_ =	shalt  }
0x58: {  	_ =	shalt  }
0x59: {  	_ =	shalt  }
0x5a: {  	_ =	shalt  }
0x5b: {  	_ =	shalt  }
0x5c: {  	_ =	shalt  }
0x5d: {  	_ =	shalt  }
0x5e: {  	_ =	shalt  }
0x5f: {  	_ =	shalt  }
0x60: {  	_ =	shalt  }
0x61: {  	_ =	shalt  }
0x62: {  	_ =	shalt  }
0x63: {  	_ =	shalt  }
0x64: {  	_ =	shalt  }
0x65: {  	_ =	shalt  }
0x66: {  	_ =	shalt  }
0x67: {  	_ =	shalt  }
0x68: {  	_ =	shalt  }
0x69: {  	_ =	shalt  }
0x6a: {  	_ =	shalt  }
0x6b: {  	_ =	shalt  }
0x6c: {  	_ =	shalt  }
0x6d: {  	_ =	shalt  }
0x6e: {  	_ =	shalt  }
0x6f: {  	_ =	shalt  }
0x70: {  	_ =	shalt  }
0x71: {  	_ =	shalt  }
0x72: {  	_ =	shalt  }
0x73: {  	_ =	shalt  }
0x74: {  	_ =	shalt  }
0x75: {  	_ =	shalt  }
0x76: {  	_ =	shalt  }
0x77: {  	_ =	shalt  }
0x78: {  	_ =	shalt  }
0x79: {  	_ =	shalt  }
0x7a: {  	_ =	shalt  }
0x7b: {  	_ =	shalt  }
0x7c: {  	_ =	shalt  }
0x7d: {  	_ =	shalt  }
0x7e: {  	_ =	shalt  }
0x7f: {  	_ =	shalt  }
0x80: {  	_ =	shalt  }
0x81: {  	_ =	shalt  }
0x82: {  	_ =	shalt  }
0x83: {  	_ =	shalt  }
0x84: {  	_ =	shalt  }
0x85: {  	_ =	shalt  }
0x86: {  	_ =	shalt  }
0x87: {  	_ =	shalt  }
.Lfunc_end0:
.L_simem_size_0:
called_computation.1_lowered:
.L_overlay_start_0:
0x88: {  	s2 =	sld [smem:$0x3FD9]  }
0x89: {  	s3 =	sld [smem:$0x3FFE];
	_ =	sdelay $0x1  }
0x8a: {  	s1 =	srdreg.scid  }
0x8b: {  	s0 =	sand.u32 $0x1, s1  }
0x8c: {  	s17 =	sshll.u32 s0, $0xA;
	s2 =	sadd.s32 s3, s2  }
0x8d: {  	s2 =	sadd.s32 s2, s17  }
0x8e: {  	[smem:$0x3FC5] =	sst s2  }
0x8f: {  	_ = 	snop  }
0x90: {  	s2 =	sld [smem:$0x3FD0];
	(tm) =	ssettm $0x1  }
0x91: {  	s18 =	sld [smem:$0x3FFB];
	_ =	sdelay $0x3  }
0x92: {  	_ =	strace s18  }
0x93: {  	s3 =	sld [smem:$0x3FFC];
	_ =	sdelay $0x3  }
0x94: {  	_ =	strace s3  }
0x95: {  	s3 =	sld [smem:$0x3FFD];
	_ =	sdelay $0x3  }
0x96: {  	_ =	strace s3  }
0x97: {  	_ =	strace $0x8FFFFFFF  }
0x98: {  	s19 =	sld [smem:$0x3FDB];
	_ =	sdelay $0x1  }
0x99: {  	s4 =	simm.s32 $_scs_section_size  }
0x9a: {  	s5 =	simm.s32 $_size__tile_overlayer_lowered;
	s6 =	simm.s32 $_tile_overlayer_lowered  }
0x9b: {  	s22 =	simm.s32 $0x1BFF;
	s21 =	sshll.u32 s6, $0x1;
	s3 =	sadd.s32 s4, s19  }
0x9c: {  	s7 =	simm.s32 $0x0;
	s20 =	sshll.u32 s5, $0x1;
	s5 =	sadd.s32 s21, s3  }
0x9d: {  	[timem:s7], [sflag:s22] =	dma.local [hbm:s5], s20  }
0x9e: {  	_ =	swait.ge [sflag:s22], s20  }
0x9f: {  	s4 =	ssub.s32 $0x0, s20;
	[sflag:s22] =	ssyncset.done $0x0  }
0xa0: {  	[sflag:s22] =	ssyncadd.s32 s4;
	_ =	sdelay $0x1  }
0xa1: {  	s23 =	simm.s32 $0x1B8B  }
0xa2: {  	_ =	swait.ge [sflag:s23], $0x1  }
0xa3: {  	[sflag:s23] =	ssyncset.done $0x0  }
0xa4: {  	s25 =	simm.s32 $0x1B8E;
	s24 =	sld [smem:$0x3FFE];
	[sflag:s23] =	ssyncadd.s32 $0xFFFFFFFF  }
0xa5: {  	s26 =	simm.s32 $execute0_lowered;
	[smem:$0x3FD2] =	sst s25  }
0xa6: {  	s5 =	sshll.u32 s26, $0x1;
	_ =	strace $0x80000046;
	[dreg:$0x1] =	wrdreg $0xFFFFFFFF  }
0xa7: {  	s28 =	simm.s32 $_size_execute0_lowered;
	s3 =	sadd.s32 s3, s5;
	[dreg:$0x0] =	wrdreg $0x0  }
0xa8: {  	s5 =	sshll.u32 s28, $0x1;
	[dreg:$0x2] =	wrdreg s3  }
0xa9: {  	[dreg:$0x3] =	wrdreg s5  }
0xaa: {  	[dreg:$0x4] =	wrdreg $0xC0  }
0xab: {  	_ =	task [dreg:s7], $0x5FFFF  }
0xac: {  	[dreg:$0x1] =	wrdreg $0xFFFFFFFF  }
0xad: {  	[dreg:$0x0] =	wrdreg $0x60  }
0xae: {  	[dreg:$0x2] =	wrdreg s24  }
0xaf: {  	[dreg:$0x3] =	wrdreg s2  }
0xb0: {  	[dreg:$0x4] =	wrdreg $0x9  }
0xb1: {  	_ =	task.clear_ibuf [dreg:s7], $0x5FFFF;
	_ =	strace $0x90000046  }
0xb2: {  	s29 =	simm.s32 $0x9;
	_ =	strace $0x80000048  }
0xb3: {  	_ =	swait.ge [sflag:s29], $0x1  }
0xb4: {  	[sflag:s29] =	ssyncadd.s32 $0xFFFFFFFF  }
0xb5: {  	_ =	strace $0x90000048  }
0xb6: {  	_ =	sfence  }
0xb7: {  	s30 =	sld [smem:$0x0];
	_ =	sdelay $0x2  }
0xb8: {  	s31 =	sshll.u32 s1, $0xD;
	s1 =	sshrl.u32 s1, $0x2  }
0xb9: {  	s3 =	sand.u32 $0x4000, s31;
	s1 =	sadd.s32 s1, s30  }
0xba: {  	s0 =	sor.u32 s3, s0;
	s1 =	sshll.u32 s1, $0x11  }
0xbb: {  	s0 =	sor.u32 s1, s0  }
0xbc: {  	s0 =	sadd.s32 $0x8F2B, s0  }
0xbd: {  	[sflag:s0] =	ssyncadd.remote.s32 $0x1  }
0xbe: {  	_ =	sfence.sel $0xFFFF  }
0xbf: {  	[dreg:$0x0] =	wrdreg $0xFFFFFFFF;
	(pc) =	sbr.abs _section_cstart, $3  }
0xc0: {  	[dreg:$0x1] =	wrdreg $0xFFFFFFFF  }
0xc1: {  	_ =	task.clear_ibuf [dreg:s7], $0x2FFFF;
	_ =	strace $0x9FFFFFFF  }
0xc2: {  	(tm) =	ssettm $0x7FFFFFFF  }
0xc3: {  	_ =	shalt  }
tec
execute0_lowered:
.L_overlay_start_1:
0x0: {  	(tag) =	ssettag $0x1  }
0x1: {  	s6 =	rddreg [dreg:$0x0]  }
0x2: {  	s1 =	rddreg [dreg:$0x1]  }
0x3: {  	s0 =	rddreg [dreg:$0x2];
	s2 =	simm.s32 $0x0;
	s3 =	srdreg.scid  }
0x4: {  	s12 =	simm.s32 $0x3540;
	s13 =	simm.s32 $0x1;
	s14 =	simm.s32 $0x64  }
0x5: {  	s15 =	simm.s32 $0x340;
	s16 =	simm.s32 $0x68;
	s17 =	simm.s32 $0x1C40  }
0x6: {  	s18 =	simm.s32 $0xD0;
	s19 =	simm.s32 $0x138;
	s20 =	simm.s32 $0x1A0  }
0x7: {  	s21 =	simm.s32 $0x208;
	s22 =	simm.s32 $0x270;
	s23 =	simm.s32 $0x2D8  }
0x8: {  	s24 =	simm.s32 $0x0;
	[smem:$0x7FF] =	sst s2;
	s7 =	sand.u32 $0x1, s3  }
0x9: {  	s4 =	sadd.s32 $0xC00, s6;
	s3 =	stileid.u32;
	s5 =	sadd.s32 $0xF43000, s6  }
0xa: {  	s6 =	sadd.s32 $0x1AC00, s6;
	s8 =	ssub.s32 $0x2, s7;
	s10 =	sshll.u32 s3, $0x1  }
0xb: {  	_ =	strace $0x80000047;
	s9 =	sshrl.u32 s8, $0x1;
	s7 =	sor.u32 s7, s10  }
0xc: {  	s10 =	sadd.s32 $0x12C0, s1;
	s11 =	ssub.s32 s8, s9;
	s7 =	smul.u32 $0x6400, s7  }
0xd: {  	s8 =	sadd.s32 $0x640, s1;
	s9 =	sadd.s32 $0xC80, s1;
	s11 =	smax.u32 s11, $0x1  }
.LBB2_1:
0xe: {  	[tilespmem:s12], [sflag:$0x1] =	stream.linear.gather [hbm4b:s6+s2], $0x3200, $0x38;
	[tilespmem:$0x6740] =	vst v63  }
0xf: {  	_ =	swait.ge [sflag:s13], $0x3200  }
0x10: {  	[sflag:s13] =	ssyncset.done $0x0  }
0x11: {  	s25 =	simm.s32 $0x0;
	[sflag:s13] =	ssyncadd.s32 $0xFFFFCE00  }
.LBB2_2:
0x12: {  	s26 =	smul.u32 $0x320, s25;
	_ =	sdelay $0x1  }
0x13: {  	s26 =	sadd.s32 s7, s26  }
0x14: {  	s28 =	smulhi.u32 $0x51EB851F, s26;
	_ =	sdelay $0x1  }
0x15: {  	s28 =	sshrl.u32 s28, $0x5  }
0x16: {  	s28 =	smul.u32 $0xD, s28;
	_ =	sdelay $0x1  }
0x17: {  	s29 =	simm.s32 $0x0;
	s28 =	sadd.s32 s4, s28  }
0x18: {  	[tilespmem:s29], [sflag:$0x1] =	stream.linear.gather [hbm4b:s28+s29], $0x340, $0x38;
	[tilespmem:$0x6740] =	vst v63  }
0x19: {  	_ =	swait.ge [sflag:s13], $0x340  }
0x1a: {  	[sflag:s13] =	ssyncset.done $0x0  }
0x1b: {  	[sflag:s13] =	ssyncadd.s32 $0xFFFFFCC0  }
0x1c: {  	[tilespmem:s15], [sflag:$0x1] =	stream.indirect.gather [hbm4b:s5+s14], $0x40, s29, s14, $0xb8;
	[tilespmem:$0x6740] =	vst v63  }
0x1d: {  	_ =	swait.ge [sflag:s13], $0x1900  }
0x1e: {  	[sflag:s13] =	ssyncset.done $0x0  }
0x1f: {  	[sflag:s13] =	ssyncadd.s32 $0xFFFFE700  }
0x20: {  	[tilespmem:s17], [sflag:$0x1] =	stream.indirect.gather [hbm4b:s5+s14], $0x40, s16, s14, $0xb8;
	[tilespmem:$0x6740] =	vst v63  }
0x21: {  	_ =	swait.ge [sflag:s13], $0x1900  }
0x22: {  	[sflag:s13] =	ssyncset.done $0x0  }
0x23: {  	s28 =	simm.s32 $0x0;
	[sflag:s13] =	ssyncadd.s32 $0xFFFFE700  }
0x24: {  	v5 =	vld [tilespmem:s28+$0x3540]  }
0x25: {  	v6 =	vld [tilespmem:s28+$0x3550]  }
0x26: {  	v1 =	vld [tilespmem:s28+$0x3560]  }
0x27: {  	v0 =	vld [tilespmem:s28+$0x3570]  }
0x28: {  	v2 =	vld [tilespmem:s28+$0x340]  }
0x29: {  	v4 =	vld [tilespmem:s28+$0x350]  }
0x2a: {  	s29 =	simm.s32 $0x100;
	v3 =	vld [tilespmem:s28+$0x360]  }
.LBB2_3:
0x2b: {  	s30 =	sshra.s32 s29, $0x2;
	p0 =	sne.s32 s29, $0xC700;
	v7 =	vld [tilespmem:s28+$0x370];
	v8 =	vmov v1  }
0x2c: {  	v9 =	vld [tilespmem:s30+$0x3540];
	v10 =	vmov v0  }
0x2d: {  	v11 =	vld [tilespmem:s30+$0x3550];
	v2 =	vadd.f32 v5, v2  }
.Ltmp0:
0x2e: {  	v1 =	vld [tilespmem:s30+$0x3560];
	v4 =	vadd.f32 v6, v4;
	(pc) =	sbr.rel @p0 .LBB2_3-.Ltmp0, $4  }
0x2f: {  	v0 =	vld [tilespmem:s30+$0x3570];
	[tilespmem:s28+$0x340] =	vst v2;
	v3 =	vadd.f32 v8, v3  }
0x30: {  	v2 =	vld [tilespmem:s30+$0x340];
	[tilespmem:s28+$0x350] =	vst v4;
	v7 =	vadd.f32 v10, v7  }
0x31: {  	v4 =	vld [tilespmem:s30+$0x350];
	[tilespmem:s28+$0x360] =	vst v3;
	v5 =	vmov v9  }
0x32: {  	s29 =	sadd.s32 $0x100, s29;
	v3 =	vld [tilespmem:s30+$0x360];
	[tilespmem:s28+$0x370] =	vst v7;
	v6 =	vmov v11;
	s28 =	smov.u32 s30  }
0x33: {  	v7 =	vld [tilespmem:s28+$0x370];
	_ =	sdelay $0x1  }
0x34: {  	v2 =	vadd.f32 v5, v2  }
0x35: {  	v4 =	vadd.f32 v6, v4  }
0x36: {  	[tilespmem:s28+$0x340] =	vst v2;
	v1 =	vadd.f32 v1, v3  }
0x37: {  	[tilespmem:s28+$0x350] =	vst v4;
	v0 =	vadd.f32 v0, v7  }
0x38: {  	s26 =	sshll.u32 s26, $0x3;
	[tilespmem:s28+$0x360] =	vst v1  }
0x39: {  	s29 =	simm.s32 $0x0;
	[tilespmem:s28+$0x370] =	vst v0;
	s28 =	sadd.s32 s1, s26  }
0x3a: {  	[hbm4b:s28+s29] =	stream.linear.scatter [tilespmem:s15], [sflag:$0x1], $0x3200, $0x38;
	[tilespmem:$0x6740] =	vst v63  }
0x3b: {  	_ =	swait.ge [sflag:s13], $0x3200  }
0x3c: {  	[sflag:s13] =	ssyncset.done $0x0  }
0x3d: {  	[sflag:s13] =	ssyncadd.s32 $0xFFFFCE00  }
0x3e: {  	[tilespmem:s15], [sflag:$0x1] =	stream.indirect.gather [hbm4b:s5+s14], $0x40, s18, s14, $0xb8;
	[tilespmem:$0x6740] =	vst v63  }
0x3f: {  	_ =	swait.ge [sflag:s13], $0x1900  }
0x40: {  	[sflag:s13] =	ssyncset.done $0x0  }
0x41: {  	[sflag:s13] =	ssyncadd.s32 $0xFFFFE700  }
0x42: {  	[tilespmem:s17], [sflag:$0x1] =	stream.indirect.gather [hbm4b:s5+s14], $0x40, s19, s14, $0xb8;
	[tilespmem:$0x6740] =	vst v63  }
0x43: {  	_ =	swait.ge [sflag:s13], $0x1900  }
0x44: {  	[sflag:s13] =	ssyncset.done $0x0  }
0x45: {  	s28 =	simm.s32 $0x0;
	[sflag:s13] =	ssyncadd.s32 $0xFFFFE700  }
0x46: {  	v5 =	vld [tilespmem:s28+$0x3540]  }
0x47: {  	v6 =	vld [tilespmem:s28+$0x3550]  }
0x48: {  	v1 =	vld [tilespmem:s28+$0x3560]  }
0x49: {  	v0 =	vld [tilespmem:s28+$0x3570]  }
0x4a: {  	v2 =	vld [tilespmem:s28+$0x340]  }
0x4b: {  	v4 =	vld [tilespmem:s28+$0x350]  }
0x4c: {  	s29 =	simm.s32 $0x100;
	v3 =	vld [tilespmem:s28+$0x360]  }
.LBB2_5:
0x4d: {  	s30 =	sshra.s32 s29, $0x2;
	p0 =	sne.s32 s29, $0xC700;
	v7 =	vld [tilespmem:s28+$0x370];
	v8 =	vmov v1  }
0x4e: {  	v9 =	vld [tilespmem:s30+$0x3540];
	v10 =	vmov v0  }
0x4f: {  	v11 =	vld [tilespmem:s30+$0x3550];
	v2 =	vadd.f32 v5, v2  }
.Ltmp1:
0x50: {  	v1 =	vld [tilespmem:s30+$0x3560];
	v4 =	vadd.f32 v6, v4;
	(pc) =	sbr.rel @p0 .LBB2_5-.Ltmp1, $4  }
0x51: {  	v0 =	vld [tilespmem:s30+$0x3570];
	[tilespmem:s28+$0x340] =	vst v2;
	v3 =	vadd.f32 v8, v3  }
0x52: {  	v2 =	vld [tilespmem:s30+$0x340];
	[tilespmem:s28+$0x350] =	vst v4;
	v7 =	vadd.f32 v10, v7  }
0x53: {  	v4 =	vld [tilespmem:s30+$0x350];
	[tilespmem:s28+$0x360] =	vst v3;
	v5 =	vmov v9  }
0x54: {  	s29 =	sadd.s32 $0x100, s29;
	v3 =	vld [tilespmem:s30+$0x360];
	[tilespmem:s28+$0x370] =	vst v7;
	v6 =	vmov v11;
	s28 =	smov.u32 s30  }
0x55: {  	v7 =	vld [tilespmem:s28+$0x370];
	_ =	sdelay $0x1  }
0x56: {  	v2 =	vadd.f32 v5, v2  }
0x57: {  	v4 =	vadd.f32 v6, v4  }
0x58: {  	[tilespmem:s28+$0x340] =	vst v2;
	v1 =	vadd.f32 v1, v3  }
0x59: {  	[tilespmem:s28+$0x350] =	vst v4;
	v0 =	vadd.f32 v0, v7  }
0x5a: {  	[tilespmem:s28+$0x360] =	vst v1  }
0x5b: {  	s29 =	simm.s32 $0x0;
	[tilespmem:s28+$0x370] =	vst v0;
	s28 =	sadd.s32 s26, s8  }
0x5c: {  	[hbm4b:s28+s29] =	stream.linear.scatter [tilespmem:s15], [sflag:$0x1], $0x3200, $0x38;
	[tilespmem:$0x6740] =	vst v63  }
0x5d: {  	_ =	swait.ge [sflag:s13], $0x3200  }
0x5e: {  	[sflag:s13] =	ssyncset.done $0x0  }
0x5f: {  	[sflag:s13] =	ssyncadd.s32 $0xFFFFCE00  }
0x60: {  	[tilespmem:s15], [sflag:$0x1] =	stream.indirect.gather [hbm4b:s5+s14], $0x40, s20, s14, $0xb8;
	[tilespmem:$0x6740] =	vst v63  }
0x61: {  	_ =	swait.ge [sflag:s13], $0x1900  }
0x62: {  	[sflag:s13] =	ssyncset.done $0x0  }
0x63: {  	[sflag:s13] =	ssyncadd.s32 $0xFFFFE700  }
0x64: {  	[tilespmem:s17], [sflag:$0x1] =	stream.indirect.gather [hbm4b:s5+s14], $0x40, s21, s14, $0xb8;
	[tilespmem:$0x6740] =	vst v63  }
0x65: {  	_ =	swait.ge [sflag:s13], $0x1900  }
0x66: {  	[sflag:s13] =	ssyncset.done $0x0  }
0x67: {  	s28 =	simm.s32 $0x0;
	[sflag:s13] =	ssyncadd.s32 $0xFFFFE700  }
0x68: {  	v5 =	vld [tilespmem:s28+$0x3540]  }
0x69: {  	v6 =	vld [tilespmem:s28+$0x3550]  }
0x6a: {  	v1 =	vld [tilespmem:s28+$0x3560]  }
0x6b: {  	v0 =	vld [tilespmem:s28+$0x3570]  }
0x6c: {  	v2 =	vld [tilespmem:s28+$0x340]  }
0x6d: {  	v4 =	vld [tilespmem:s28+$0x350]  }
0x6e: {  	s29 =	simm.s32 $0x100;
	v3 =	vld [tilespmem:s28+$0x360]  }
.LBB2_7:
0x6f: {  	s30 =	sshra.s32 s29, $0x2;
	p0 =	sne.s32 s29, $0xC700;
	v7 =	vld [tilespmem:s28+$0x370];
	v8 =	vmov v1  }
0x70: {  	v9 =	vld [tilespmem:s30+$0x3540];
	v10 =	vmov v0  }
0x71: {  	v11 =	vld [tilespmem:s30+$0x3550];
	v2 =	vadd.f32 v5, v2  }
.Ltmp2:
0x72: {  	v1 =	vld [tilespmem:s30+$0x3560];
	v4 =	vadd.f32 v6, v4;
	(pc) =	sbr.rel @p0 .LBB2_7-.Ltmp2, $4  }
0x73: {  	v0 =	vld [tilespmem:s30+$0x3570];
	[tilespmem:s28+$0x340] =	vst v2;
	v3 =	vadd.f32 v8, v3  }
0x74: {  	v2 =	vld [tilespmem:s30+$0x340];
	[tilespmem:s28+$0x350] =	vst v4;
	v7 =	vadd.f32 v10, v7  }
0x75: {  	v4 =	vld [tilespmem:s30+$0x350];
	[tilespmem:s28+$0x360] =	vst v3;
	v5 =	vmov v9  }
0x76: {  	s29 =	sadd.s32 $0x100, s29;
	v3 =	vld [tilespmem:s30+$0x360];
	[tilespmem:s28+$0x370] =	vst v7;
	v6 =	vmov v11;
	s28 =	smov.u32 s30  }
0x77: {  	v7 =	vld [tilespmem:s28+$0x370];
	_ =	sdelay $0x1  }
0x78: {  	v2 =	vadd.f32 v5, v2  }
0x79: {  	v4 =	vadd.f32 v6, v4  }
0x7a: {  	[tilespmem:s28+$0x340] =	vst v2;
	v1 =	vadd.f32 v1, v3  }
0x7b: {  	[tilespmem:s28+$0x350] =	vst v4;
	v0 =	vadd.f32 v0, v7  }
0x7c: {  	[tilespmem:s28+$0x360] =	vst v1  }
0x7d: {  	s29 =	simm.s32 $0x0;
	[tilespmem:s28+$0x370] =	vst v0;
	s28 =	sadd.s32 s26, s9  }
0x7e: {  	[hbm4b:s28+s29] =	stream.linear.scatter [tilespmem:s15], [sflag:$0x1], $0x3200, $0x38;
	[tilespmem:$0x6740] =	vst v63  }
0x7f: {  	_ =	swait.ge [sflag:s13], $0x3200  }
0x80: {  	[sflag:s13] =	ssyncset.done $0x0  }
0x81: {  	[sflag:s13] =	ssyncadd.s32 $0xFFFFCE00  }
0x82: {  	[tilespmem:s15], [sflag:$0x1] =	stream.indirect.gather [hbm4b:s5+s14], $0x40, s22, s14, $0xb8;
	[tilespmem:$0x6740] =	vst v63  }
0x83: {  	_ =	swait.ge [sflag:s13], $0x1900  }
0x84: {  	[sflag:s13] =	ssyncset.done $0x0  }
0x85: {  	[sflag:s13] =	ssyncadd.s32 $0xFFFFE700  }
0x86: {  	[tilespmem:s17], [sflag:$0x1] =	stream.indirect.gather [hbm4b:s5+s14], $0x40, s23, s14, $0xb8;
	[tilespmem:$0x6740] =	vst v63  }
0x87: {  	_ =	swait.ge [sflag:s13], $0x1900  }
0x88: {  	[sflag:s13] =	ssyncset.done $0x0  }
0x89: {  	s28 =	simm.s32 $0x0;
	[sflag:s13] =	ssyncadd.s32 $0xFFFFE700  }
0x8a: {  	v5 =	vld [tilespmem:s28+$0x3540]  }
0x8b: {  	v6 =	vld [tilespmem:s28+$0x3550]  }
0x8c: {  	v1 =	vld [tilespmem:s28+$0x3560]  }
0x8d: {  	v0 =	vld [tilespmem:s28+$0x3570]  }
0x8e: {  	v2 =	vld [tilespmem:s28+$0x340]  }
0x8f: {  	v4 =	vld [tilespmem:s28+$0x350]  }
0x90: {  	s29 =	simm.s32 $0x100;
	v3 =	vld [tilespmem:s28+$0x360]  }
.LBB2_9:
0x91: {  	s30 =	sshra.s32 s29, $0x2;
	p0 =	sne.s32 s29, $0xC700;
	v7 =	vld [tilespmem:s28+$0x370];
	v8 =	vmov v1  }
0x92: {  	v9 =	vld [tilespmem:s30+$0x3540];
	v10 =	vmov v0  }
0x93: {  	v11 =	vld [tilespmem:s30+$0x3550];
	v2 =	vadd.f32 v5, v2  }
.Ltmp3:
0x94: {  	v1 =	vld [tilespmem:s30+$0x3560];
	v4 =	vadd.f32 v6, v4;
	(pc) =	sbr.rel @p0 .LBB2_9-.Ltmp3, $4  }
0x95: {  	v0 =	vld [tilespmem:s30+$0x3570];
	[tilespmem:s28+$0x340] =	vst v2;
	v3 =	vadd.f32 v8, v3  }
0x96: {  	v2 =	vld [tilespmem:s30+$0x340];
	[tilespmem:s28+$0x350] =	vst v4;
	v7 =	vadd.f32 v10, v7  }
0x97: {  	v4 =	vld [tilespmem:s30+$0x350];
	[tilespmem:s28+$0x360] =	vst v3;
	v5 =	vmov v9  }
0x98: {  	s29 =	sadd.s32 $0x100, s29;
	v3 =	vld [tilespmem:s30+$0x360];
	[tilespmem:s28+$0x370] =	vst v7;
	v6 =	vmov v11;
	s28 =	smov.u32 s30  }
0x99: {  	v7 =	vld [tilespmem:s28+$0x370];
	_ =	sdelay $0x1  }
0x9a: {  	v2 =	vadd.f32 v5, v2  }
0x9b: {  	v4 =	vadd.f32 v6, v4  }
0x9c: {  	[tilespmem:s28+$0x340] =	vst v2;
	v1 =	vadd.f32 v1, v3  }
0x9d: {  	s25 =	sadd.s32 $0x1, s25;
	[tilespmem:s28+$0x350] =	vst v4;
	v0 =	vadd.f32 v0, v7  }
0x9e: {  	p0 =	sne.s32 s25, $0x20;
	[tilespmem:s28+$0x360] =	vst v1  }
.Ltmp4:
0x9f: {  	s26 =	sadd.s32 s26, s10;
	[tilespmem:s28+$0x370] =	vst v0;
	(pc) =	sbr.rel @p0 .LBB2_2-.Ltmp4, $4  }
0xa0: {  	[hbm4b:s26+s2] =	stream.linear.scatter [tilespmem:s15], [sflag:$0x1], $0x3200, $0x38;
	[tilespmem:$0x6740] =	vst v63  }
0xa1: {  	_ =	swait.ge [sflag:s13], $0x3200  }
0xa2: {  	[sflag:s13] =	ssyncset.done $0x0  }
0xa3: {  	[sflag:s13] =	ssyncadd.s32 $0xFFFFCE00  }
0xa4: {  	s24 =	sadd.s32 $0x1, s24  }
0xa5: {  	p0 =	sne.s32 s24, s11  }
.Ltmp5:
0xa6: {  	_ = 	snop;
	(pc) =	sbr.rel @p0 .LBB2_1-.Ltmp5, $1  }
0xa7: {  	_ =	sdelay $0x3  }
0xa8: {  	_ =	sfence.sel $0x180000  }
0xa9: {  	[bflag:$0x0] =	sbarrier.arrive $0xFFFF  }
0xaa: {  	p0 =	sne.s32 s3, $0x0;
	_ =	strace $0x90000047  }
0xab: {  	s0 =	sadd.s32 @!p0 $0x100000, s0;
	[bflag:$0x2] =	sbarrier.arrive $0xFFFF  }
0xac: {  	[sflag:s0] =	ssyncadd.tile.s32 @!p0 $0x1;
	_ =	shalt  }
.Lfunc_end2:
_tile_overlayer_lowered:
.L_overlay_start_2:
0xad: {  	(tag) =	ssettag $0x2  }
0xae: {  	s0 =	rddreg [dreg:$0x0];
	s2 =	stileid.u32  }
0xaf: {  	s1 =	rddreg [dreg:$0x1];
	p0 =	sne.s32 s2, $0x0  }
0xb0: {  	s3 =	rddreg [dreg:$0x2];
	[bflag:$0x3] =	sbarrier.arrive $0xFFFF;
	s2 =	simm.s32 @!p0 $0x1C01  }
0xb1: {  	[timem:s3], [sflag:s2] =	dma.local @!p0 [hbm:s0], s1  }
0xb2: {  	s0 =	simm.s32 @!p0 $0x1  }
0xb3: {  	_ =	swait.ge @!p0 [sflag:s0], s1  }
0xb4: {  	s1 =	ssub.s32 @!p0 $0x0, s1;
	[sflag:s0] =	ssyncset.done @!p0 $0x0  }
0xb5: {  	[sflag:s0] =	ssyncadd.s32 @!p0 s1  }
0xb6: {  	[bflag:$0x3] =	sbarrier.arrive $0xFFFF  }
0xb7: {  	_ =	shalt  }

// kernel: sparse-core-data-format-call.cloned.1.call-start
scs
called_computation_lowered:
.L_overlay_start_0:
0x0: {  	s2 =	sld [smem:$0x3FD9]  }
0x1: {  	s3 =	sld [smem:$0x3FFE];
	_ =	sdelay $0x1  }
0x2: {  	s1 =	srdreg.scid  }
0x3: {  	s0 =	sand.u32 $0x1, s1  }
0x4: {  	s18 =	sshll.u32 s0, $0xA;
	s2 =	sadd.s32 s3, s2  }
0x5: {  	s2 =	sadd.s32 s2, s18  }
0x6: {  	[smem:$0x3FC5] =	sst s2  }
0x7: {  	_ = 	snop  }
0x8: {  	s2 =	sld [smem:$0x3FD0];
	(tm) =	ssettm $0x1  }
0x9: {  	s19 =	sld [smem:$0x3FFB];
	_ =	sdelay $0x3  }
0xa: {  	_ =	strace s19  }
0xb: {  	s3 =	sld [smem:$0x3FFC];
	_ =	sdelay $0x3  }
0xc: {  	_ =	strace s3  }
0xd: {  	s3 =	sld [smem:$0x3FFD];
	_ =	sdelay $0x3  }
0xe: {  	_ =	strace s3  }
0xf: {  	_ =	strace $0x8FFFFFFF  }
0x10: {  	s20 =	sld [smem:$0x3FDB];
	_ =	sdelay $0x1  }
0x11: {  	s4 =	simm.s32 $_scs_section_size  }
0x12: {  	s5 =	simm.s32 $_size__tile_overlayer_lowered;
	s6 =	simm.s32 $_tile_overlayer_lowered  }
0x13: {  	s23 =	simm.s32 $0x1BFF;
	s22 =	sshll.u32 s6, $0x1;
	s3 =	sadd.s32 s4, s20  }
0x14: {  	s7 =	simm.s32 $0x0;
	s21 =	sshll.u32 s5, $0x1;
	s5 =	sadd.s32 s22, s3  }
0x15: {  	[timem:s7], [sflag:s23] =	dma.local [hbm:s5], s21  }
0x16: {  	_ =	swait.ge [sflag:s23], s21  }
0x17: {  	s4 =	ssub.s32 $0x0, s21;
	[sflag:s23] =	ssyncset.done $0x0  }
0x18: {  	[sflag:s23] =	ssyncadd.s32 s4;
	_ =	sdelay $0x1  }
0x19: {  	s24 =	simm.s32 $0x1B8B  }
0x1a: {  	_ =	swait.ge [sflag:s24], $0x1  }
0x1b: {  	[sflag:s24] =	ssyncset.done $0x0  }
0x1c: {  	s26 =	simm.s32 $0x1B8E;
	s25 =	sld [smem:$0x3FFE];
	[sflag:s24] =	ssyncadd.s32 $0xFFFFFFFF  }
0x1d: {  	s27 =	simm.s32 $execute0_lowered;
	[smem:$0x3FD2] =	sst s26  }
0x1e: {  	s5 =	sshll.u32 s27, $0x1;
	_ =	strace $0x80000049;
	[dreg:$0x1] =	wrdreg $0xFFFFFFFF  }
0x1f: {  	s28 =	simm.s32 $_size_execute0_lowered;
	s3 =	sadd.s32 s3, s5;
	[dreg:$0x0] =	wrdreg $0x0  }
0x20: {  	s5 =	sshll.u32 s28, $0x1;
	[dreg:$0x2] =	wrdreg s3  }
0x21: {  	[dreg:$0x3] =	wrdreg s5  }
0x22: {  	[dreg:$0x4] =	wrdreg $0xC0  }
0x23: {  	_ =	task [dreg:s7], $0x5FFFF  }
0x24: {  	[dreg:$0x1] =	wrdreg $0xFFFFFFFF  }
0x25: {  	[dreg:$0x0] =	wrdreg $0x60  }
0x26: {  	[dreg:$0x2] =	wrdreg s25  }
0x27: {  	[dreg:$0x3] =	wrdreg s2  }
0x28: {  	[dreg:$0x4] =	wrdreg $0x9  }
0x29: {  	_ =	task.clear_ibuf [dreg:s7], $0x5FFFF;
	_ =	strace $0x90000049  }
0x2a: {  	s29 =	simm.s32 $0x9;
	_ =	strace $0x8000004B  }
0x2b: {  	_ =	swait.ge [sflag:s29], $0x1  }
0x2c: {  	[sflag:s29] =	ssyncadd.s32 $0xFFFFFFFF  }
0x2d: {  	_ =	strace $0x9000004B  }
0x2e: {  	_ =	sfence  }
0x2f: {  	s30 =	sld [smem:$0x0];
	_ =	sdelay $0x2  }
0x30: {  	s31 =	sshll.u32 s1, $0xD;
	s1 =	sshrl.u32 s1, $0x2  }
0x31: {  	s3 =	sand.u32 $0x4000, s31;
	s1 =	sadd.s32 s1, s30  }
0x32: {  	s0 =	sor.u32 s3, s0;
	s1 =	sshll.u32 s1, $0x11  }
0x33: {  	s0 =	sor.u32 s1, s0  }
0x34: {  	s0 =	sadd.s32 $0x8F2B, s0  }
0x35: {  	[sflag:s0] =	ssyncadd.remote.s32 $0x1  }
0x36: {  	_ =	sfence.sel $0xFFFF  }
0x37: {  	[dreg:$0x0] =	wrdreg $0xFFFFFFFF;
	(pc) =	sbr.abs _section_cstart, $3  }
0x38: {  	[dreg:$0x1] =	wrdreg $0xFFFFFFFF  }
0x39: {  	_ =	task.clear_ibuf [dreg:s7], $0x2FFFF;
	_ =	strace $0x9FFFFFFF  }
0x3a: {  	(tm) =	ssettm $0x7FFFFFFF  }
0x3b: {  	_ =	shalt  }
tec
execute0_lowered:
.L_overlay_start_1:
0x0: {  	(tag) =	ssettag $0x1  }
0x1: {  	s0 =	srdreg.scid  }
0x2: {  	s1 =	sshll.u32 s0, $0x4  }
0x3: {  	s0 =	stileid.u32;
	s1 =	sand.u32 $0x10, s1  }
0x4: {  	s1 =	sor.u32 s0, s1  }
0x5: {  	s6 =	rddreg [dreg:$0x0];
	s4 =	simm.s32 $0x1;
	s2 =	sshll.u32 s1, $0x7  }
0x6: {  	s7 =	simm.s32 $0x2;
	s12 =	simm.s32 $0x0;
	s1 =	ssub.s32 $0x1000, s2  }
0x7: {  	s8 =	simm.s32 $0x8000;
	s13 =	simm.s32 $0x0;
	s3 =	sand.u32 $0xF80, s1  }
0x8: {  	s9 =	simm.s32 $0x0;
	s5 =	sshrl.u32 s1, $0xC;
	p0 =	sne.s32 s3, $0x0  }
.Ltmp0:
0x9: {  	s1 =	rddreg [dreg:$0x2];
	s4 =	simm.s32 @!p0 $0x0;
	(pc) =	sbr.rel .LBB1_1-.Ltmp0, $4  }
0xa: {  	s11 =	simm.s32 $0x0;
	s3 =	rddreg [dreg:$0x1];
	s5 =	sadd.s32 s4, s5  }
0xb: {  	_ =	strace $0x8000004A;
	s4 =	simm.s32 $0x1;
	s5 =	smul.u32 $0xC8, s5  }
0xc: {  	s6 =	sadd.s32 $0xC00, s6;
	s10 =	smov.u32 s2;
	[sflag:s4] =	ssyncpa.u1 $0x0  }
0xd: {  	p0 =	por $0x0, $0x0;
	[sflag:s7] =	ssyncpa.u1 $0x0;
	s7 =	sor.u32 $0x1, s5  }
.LBB1_4:
0xe: {  	s16 =	sshll.u32 s13, $0x3;
	s17 =	sand.u32 $0x78, s13  }
0xf: {  	s30 =	sand.u32 $0x7E00, s13;
	s12 =	sshll.u32 s12, $0xF;
	s16 =	sand.u32 $0xC00, s16  }
0x10: {  	[tilespmem:s15+$0x810 ss:$0x81] =	vst.msk $0xffff, v2;
	s31 =	sand.u32 $0x7, s13;
	s16 =	sor.u32 s17, s16;
	s17 =	sadd.s32 s3, s30  }
0x11: {  	[tilespmem:s15+$0x1020 ss:$0x81] =	vst.msk $0xffff, v0;
	s13 =	sshll.u32 s31, $0x12;
	s12 =	sadd.s32 s12, s17;
	s16 =	sshrl.u32 s16, $0x3  }
0x12: {  	[tilespmem:s15+$0x0 ss:$0x81] =	vst.msk $0xffff, v1;
	s13 =	sor.u32 $0x400, s13;
	s12 =	sadd.s32 s16, s12  }
0x13: {  	[hbm4b:s12+s13] =	stream.strided.scatter [tilespmem:s14], [sflag:$0x2], $0x2000, s8, s13, $0x20;
	[tilespmem:$0x8080] =	vst v63  }
.LBB1_5:
0x14: {  	s14 =	sadd.s32 $0x1, s9  }
0x15: {  	s12 =	sadd.s32 $0x1000, s10;
	s16 =	smov.u32 s10;
	p2 =	sgt.s32 s14, $0xC7  }
0x16: {  	s16 =	smov.u32 @p2 s12  }
0x17: {  	s14 =	simm.s32 @p2 $0x0;
	p2 =	sgt.s32 s16, $0xFFF  }
0x18: {  	s16 =	smov.u32 @p2 s2;
	p2 =	sne.s32 s11, s7  }
.Ltmp1:
0x19: {  	p1 =	slt.u32 s11, $0x2;
	(pc) =	sbr.rel @!p2 .LBB1_6-.Ltmp1, $4  }
0x1a: {  	s15 =	simm.s32 @!p1 $0x2  }
0x1b: {  	s13 =	smov.u32 s10;
	p0 =	por !p0, !p0;
	_ =	swait.ge @!p1 [sflag:s15], $0x2000  }
0x1c: {  	s12 =	smov.u32 s9;
	[sflag:s15] =	ssyncset.done @!p1 $0x0;
	s9 =	smov.u32 s14  }
0x1d: {  	s11 =	sadd.s32 $0x1, s11;
	[sflag:s15] =	ssyncadd.s32 @!p1 $0xFFFFE000;
	s10 =	smov.u32 s16  }
.LBB1_1:
0x1e: {  	p1 =	sge.u32 s11, s5  }
0x1f: {  	s14 =	sand.u32 @!p1 $0x1FFFFFF, s9  }
0x20: {  	s15 =	smulhi.u32 @!p1 $0x147AE15, s14;
	_ =	sdelay $0x1  }
0x21: {  	s15 =	smul.u32 @!p1 $0xC8, s15  }
0x22: {  	s16 =	sxor.u32 @!p1 $0xFFFFFFFF, s11;
	s17 =	smul.u32 @!p1 $0xC80, s10  }
0x23: {  	s31 =	sadd.s32 $0xFFFFFFFF, s11;
	s16 =	sshll.u32 @!p1 s16, $0xD;
	s14 =	ssub.s32 @!p1 s14, s15  }
0x24: {  	s15 =	sand.u32 @!p1 $0x2000, s16;
	s16 =	sadd.s32 @!p1 s6, s17;
	s14 =	sshll.u32 @!p1 s14, $0x4  }
0x25: {  	s17 =	simm.s32 @!p1 $0x6400;
	s14 =	sadd.s32 @!p1 s14, s16;
	s16 =	simm.s32 @!p1 $0x40  }
0x26: {  	[tilespmem:s15], [sflag:$0x1] =	stream.strided.gather @!p1 [hbm4b:s14+s16], $0x2000, s17, s16, $0x38;
	[tilespmem:$0x8080] =	vst v63  }
0x27: {  	p1 =	sge.u32 s31, s5  }
.Ltmp2:
0x28: {  	_ = 	snop;
	(pc) =	sbr.rel @p1 .LBB1_5-.Ltmp2, $1  }
0x29: {  	_ =	sdelay $0x3  }
0x2a: {  	s14 =	simm.s32 $0x1  }
0x2b: {  	_ =	swait.ge [sflag:s4], $0x2000;
	s14 =	simm.s32 @!p0 $0x0  }
0x2c: {  	[sflag:s4] =	ssyncset.done $0x0;
	s15 =	sshll.u32 s14, $0xD  }
0x2d: {  	[sflag:s4] =	ssyncadd.s32 $0xFFFFE000;
	s18 =	sor.u32 $0x20, s15  }
0x2e: {  	s14 =	smul.u32 $0x8100, s14;
	v3 =	vld [tilespmem:s18+$0x10]  }
0x2f: {  	s30 =	sand.u32 $0x1, s11;
	v2 =	vld [tilespmem:s18+$0xFFFFFFF0]  }
0x30: {  	s15 =	smul.u32 $0x8100, s30;
	s14 =	sshrl.u32 s14, $0x2;
	v0 =	vld [tilespmem:s18+$0x0]  }
0x31: {  	v1 =	vld [tilespmem:s18+$0xFFFFFFE0];
	s16 =	sor.u32 $0x4000, s14  }
0x32: {  	s31 =	sshrl.u32 s15, $0x2;
	s15 =	sadd.s32 $0x0, s16  }
0x33: {  	s17 =	simm.s32 $0x4;
	s18 =	sadd.s32 $0x40, s18;
	s14 =	sor.u32 $0x4000, s31;
	[tilespmem:s15+$0x1830 ss:$0x81] =	vst.msk $0xffff, v3  }
.LBB1_3:
0x34: {  	v3 =	vld [tilespmem:s18+$0x10];
	p1 =	sne.s32 s17, $0x1FC;
	[tilespmem:s15+$0x810 ss:$0x81] =	vst.msk $0xffff, v2;
	s19 =	smov.u32 s17;
	s17 =	sadd.s32 $0x4, s17  }
.Ltmp3:
0x35: {  	v2 =	vld [tilespmem:s18+$0xFFFFFFF0];
	[tilespmem:s15+$0x1020 ss:$0x81] =	vst.msk $0xffff, v0;
	(pc) =	sbr.rel @p1 .LBB1_3-.Ltmp3, $4  }
0x36: {  	v0 =	vld [tilespmem:s18+$0x0];
	[tilespmem:s15+$0x0 ss:$0x81] =	vst.msk $0xffff, v1  }
0x37: {  	s15 =	sshra.s32 s19, $0x2;
	v1 =	vld [tilespmem:s18+$0xFFFFFFE0]  }
0x38: {  	s15 =	sadd.s32 s15, s16  }
0x39: {  	s18 =	sadd.s32 $0x40, s18;
	[tilespmem:s15+$0x1830 ss:$0x81] =	vst.msk $0xffff, v3  }
.Ltmp4:
0x3a: {  	_ = 	snop;
	(pc) =	sbr.rel .LBB1_4-.Ltmp4, $1  }
0x3b: {  	_ =	sdelay $0x3  }
.LBB1_6:
0x3c: {  	_ =	sfence.sel $0x180000  }
0x3d: {  	s2 =	simm.s32 $0x1;
	[bflag:$0x0] =	sbarrier.arrive $0xFFFF  }
0x3e: {  	s31 =	simm.s32 $0x2;
	[sflag:s2] =	ssyncpa.u1 $0x1  }
0x3f: {  	[sflag:s31] =	ssyncpa.u1 $0x1  }
0x40: {  	p0 =	sne.s32 s0, $0x0;
	_ =	strace $0x9000004A  }
0x41: {  	s0 =	sadd.s32 @!p0 $0x100000, s1;
	[bflag:$0x2] =	sbarrier.arrive $0xFFFF  }
0x42: {  	[sflag:s0] =	ssyncadd.tile.s32 @!p0 $0x1;
	_ =	shalt  }
.Lfunc_end1:
_tile_overlayer_lowered:
.L_overlay_start_2:
0x43: {  	(tag) =	ssettag $0x2  }
0x44: {  	s0 =	rddreg [dreg:$0x0];
	s2 =	stileid.u32  }
0x45: {  	s1 =	rddreg [dreg:$0x1];
	p0 =	sne.s32 s2, $0x0  }
0x46: {  	s3 =	rddreg [dreg:$0x2];
	[bflag:$0x3] =	sbarrier.arrive $0xFFFF;
	s2 =	simm.s32 @!p0 $0x1C01  }
0x47: {  	[timem:s3], [sflag:s2] =	dma.local @!p0 [hbm:s0], s1  }
0x48: {  	s0 =	simm.s32 @!p0 $0x1  }
0x49: {  	_ =	swait.ge @!p0 [sflag:s0], s1  }
0x4a: {  	s1 =	ssub.s32 @!p0 $0x0, s1;
	[sflag:s0] =	ssyncset.done @!p0 $0x0  }
0x4b: {  	[sflag:s0] =	ssyncadd.s32 @!p0 s1  }
0x4c: {  	[bflag:$0x3] =	sbarrier.arrive $0xFFFF  }
0x4d: {  	_ =	shalt  }

</sc_bundles>
